<compile_context>
chip_gen: v7x
topology: tpu7x:2x2x1
jax: 0.10.2.dev20260603
libtpu: 0.0.44.dev20260713+nightly
codegen_flags: <defaults>
</compile_context>

<pallas_src>
import functools

import jax
import jax.numpy as jnp
from jax import lax
from jax.experimental import pallas as pl
from jax.experimental.pallas import tpu as pltpu
from jax.experimental.pallas import tpu_sc as plsc

NC = 2
NS = 16
NW = NC * NS
LANES = 16

CH = 128
KSUB = 2
CHS = CH * KSUB
NBUF = 2


def _deg_body(dst_hbm, ones_hbm, zeros_hbm, out_hbm, idx_v, ones_v, zb_v, deg_sp):
    cid = lax.axis_index("c")
    sid = lax.axis_index("s")
    wid = sid * NC + cid
    npad = out_hbm.shape[1]
    rows_per_sub = npad // NS
    n_sup = dst_hbm.shape[0] // (NW * KSUB)
    base_row = wid * n_sup * KSUB

    pltpu.sync_copy(ones_hbm, ones_v)
    pltpu.sync_copy(zeros_hbm, zb_v)
    pltpu.sync_copy(zb_v, deg_sp.at[pl.ds(sid * rows_per_sub, rows_per_sub)])
    plsc.subcore_barrier()

    def loop(g, carry):
        pltpu.sync_copy(dst_hbm.at[pl.ds(base_row + g * KSUB, KSUB)], idx_v)
        for j in range(KSUB):
            pltpu.sync_copy(ones_v, deg_sp.at[idx_v.at[j]], add=True)
        return carry

    lax.fori_loop(0, n_sup, loop, 0)
    plsc.subcore_barrier()
    pltpu.sync_copy(
        deg_sp.at[pl.ds(sid * rows_per_sub, rows_per_sub)],
        out_hbm.at[cid].at[pl.ds(sid * rows_per_sub, rows_per_sub)],
    )


def _scat_body(eint_hbm, xs_hbm, zeros_hbm, out_hbm,
               eidx_v, rows_v, acc_sp, gsem0, gsem1):
    cid = lax.axis_index("c")
    sid = lax.axis_index("s")
    wid = sid * NC + cid
    npad = out_hbm.shape[1]
    rows_per_sub = npad // NS
    n_sup = eint_hbm.shape[0] // NW
    gsems = (gsem0, gsem1)

    pltpu.sync_copy(zeros_hbm, rows_v.at[0].at[pl.ds(0, CH)])
    for t in range(rows_per_sub // CH):
        pltpu.sync_copy(rows_v.at[0].at[pl.ds(0, CH)],
                        acc_sp.at[pl.ds(sid * rows_per_sub + t * CH, CH)])
    pltpu.sync_copy(eint_hbm.at[pl.ds(wid * n_sup, n_sup)], eidx_v)
    plsc.subcore_barrier()

    def fire_gathers(b, g):
        for j in range(KSUB):
            pltpu.async_copy(xs_hbm.at[eidx_v.at[g].at[j]],
                             rows_v.at[b].at[pl.ds(j * CH, CH)], gsems[b])

    def drain_fire_scatters(b, g):
        for j in range(KSUB):
            pltpu.make_async_copy(xs_hbm.at[eidx_v.at[g].at[j]],
                                  rows_v.at[b].at[pl.ds(j * CH, CH)],
                                  gsems[b]).wait()
        for j in range(KSUB):
            pltpu.sync_copy(rows_v.at[b].at[pl.ds(j * CH, CH)],
                            acc_sp.at[eidx_v.at[g].at[KSUB + j]], add=True)

    fire_gathers(0, 0)

    def loop(k4, carry):
        for kk in range(NBUF):
            k = NBUF * k4 + kk
            bn = (kk + 1) % NBUF

            @pl.when(k + 1 < n_sup)
            def _():
                fire_gathers(bn, k + 1)

            drain_fire_scatters(kk, k)
        return carry

    lax.fori_loop(0, n_sup // NBUF, loop, 0)
    plsc.subcore_barrier()
    pltpu.sync_copy(
        acc_sp.at[pl.ds(sid * rows_per_sub, rows_per_sub)],
        out_hbm.at[cid].at[pl.ds(sid * rows_per_sub, rows_per_sub)],
    )


def _prep_body(z_ref, w_ref, deg_ref, xs_ref, dv_ref):
    x = jnp.dot(z_ref[...], w_ref[...], preferred_element_type=jnp.float32)
    deg = deg_ref[0, :, 0:1] + deg_ref[1, :, 0:1] + 1.0
    dinv = lax.rsqrt(deg)
    xs_ref[...] = x * dinv
    dv_ref[...] = jnp.broadcast_to(dinv, dv_ref.shape)


def _h_body(acc_ref, xs_ref, dv_ref, b_ref, h_ref):
    acc = acc_ref[0] + acc_ref[1] + xs_ref[...]
    h_ref[...] = jnp.maximum(acc * dv_ref[...] + b_ref[...], 0.0)


def _mm_body(hi_ref, hj_ref, out_ref):
    out_ref[...] = lax.dot_general(
        hi_ref[...], hj_ref[...], (((1,), (1,)), ((), ())),
        preferred_element_type=jnp.float32)


def kernel(z, edge_index, W, b):
    n, d = z.shape
    e = edge_index.shape[1]

    npad = 10240 if n <= 10240 else ((n + NW * LANES) // (NW * LANES)) * NW * LANES
    ewq = NBUF * CHS
    ew = ((e + NW * ewq - 1) // (NW * ewq)) * ewq
    epad = ew * NW

    ei = edge_index.astype(jnp.int32)
    pad_node = jnp.int32(n)
    src = jnp.full((epad,), pad_node, jnp.int32)
    src = lax.dynamic_update_slice(src, ei[0], (0,)).reshape(-1, KSUB, CH)
    dst = jnp.full((epad,), pad_node, jnp.int32)
    dst = lax.dynamic_update_slice(dst, ei[1], (0,)).reshape(-1, KSUB, CH)
    eint = jnp.concatenate([src, dst], axis=1)
    dst = dst.reshape(-1, CH)

    zp = jnp.zeros((npad, d), jnp.float32).at[:n].set(z.astype(jnp.float32))

    ones16 = jnp.ones((CH, LANES), jnp.float32)
    zeros16 = jnp.zeros((npad // NS, LANES), jnp.float32)
    zeros_d = jnp.zeros((CH, d), jnp.float32)

    mesh = plsc.VectorSubcoreMesh(core_axis_name="c", subcore_axis_name="s",
                                  num_cores=NC, num_subcores=NS)
    sc_params = pltpu.CompilerParams(use_tc_tiling_on_sc=False)

    deg_parts = pl.kernel(
        _deg_body,
        out_type=jax.ShapeDtypeStruct((NC, npad, LANES), jnp.float32),
        mesh=mesh,
        scratch_types=[
            pltpu.VMEM((KSUB, CH), jnp.int32),
            pltpu.VMEM((CH, LANES), jnp.float32),
            pltpu.VMEM((npad // NS, LANES), jnp.float32),
            pltpu.VMEM_SHARED((npad, LANES), jnp.float32),
        ],
        compiler_params=sc_params,
    )(dst, ones16, zeros16)

    blk = 1024
    xs, dv = pl.pallas_call(
        _prep_body,
        grid=(npad // blk,),
        in_specs=[
            pl.BlockSpec((blk, d), lambda i: (i, 0)),
            pl.BlockSpec((d, d), lambda i: (0, 0)),
            pl.BlockSpec((NC, blk, LANES), lambda i: (0, i, 0)),
        ],
        out_specs=[
            pl.BlockSpec((blk, d), lambda i: (i, 0)),
            pl.BlockSpec((blk, d), lambda i: (i, 0)),
        ],
        out_shape=[
            jax.ShapeDtypeStruct((npad, d), jnp.float32),
            jax.ShapeDtypeStruct((npad, d), jnp.float32),
        ],
    )(zp, W, deg_parts)

    acc_parts = pl.kernel(
        _scat_body,
        out_type=jax.ShapeDtypeStruct((NC, npad, d), jnp.float32),
        mesh=mesh,
        scratch_types=[
            pltpu.VMEM((ew // CHS, 2 * KSUB, CH), jnp.int32),
            pltpu.VMEM((NBUF, CHS, d), jnp.float32),
            pltpu.VMEM_SHARED((npad, d), jnp.float32),
        ] + [pltpu.SemaphoreType.DMA] * NBUF,
        compiler_params=sc_params,
    )(eint, xs, zeros_d)

    h = pl.pallas_call(
        _h_body,
        grid=(npad // blk,),
        in_specs=[
            pl.BlockSpec((NC, blk, d), lambda i: (0, i, 0)),
            pl.BlockSpec((blk, d), lambda i: (i, 0)),
            pl.BlockSpec((blk, d), lambda i: (i, 0)),
            pl.BlockSpec((1, d), lambda i: (0, 0)),
        ],
        out_specs=pl.BlockSpec((blk, d), lambda i: (i, 0)),
        out_shape=jax.ShapeDtypeStruct((npad, d), jnp.float32),
    )(acc_parts, xs, dv, b.reshape(1, d))

    bm = bn = 1024
    a_hat = pl.pallas_call(
        _mm_body,
        grid=(npad // bm, npad // bn),
        in_specs=[
            pl.BlockSpec((bm, d), lambda i, j: (i, 0)),
            pl.BlockSpec((bn, d), lambda i, j: (j, 0)),
        ],
        out_specs=pl.BlockSpec((bm, bn), lambda i, j: (i, j)),
        out_shape=jax.ShapeDtypeStruct((n, n), jnp.float32),
    )(h, h)
    return a_hat

# --- scband reference (transcript-rebuilt; emitter-appended) ---
"""Pipeline reference for scband-structure-decoder-23871428231492 (READ-ONLY COPY).

The authoritative reference and input builder live on the scoring server;
editing this copy changes nothing except your own understanding.
"""

import jax, jax.numpy as jnp
import numpy as np

N_NODES = 10000
N_EDGES = 640000
D = 64

def setup_inputs(seed: int = 0) -> dict:
    key = jax.random.key(seed)
    k1, k2, k3, k4 = jax.random.split(key, 4)
    z = jax.random.normal(k1, (N_NODES, D), dtype=jnp.float32)
    edge_index = jax.random.randint(k2, (2, N_EDGES), 0, N_NODES, dtype=jnp.int64)
    # GCNConv(64, 64) learned parameters: weight [in, out] and bias [out]
    W = jax.random.normal(k3, (D, D), dtype=jnp.float32) * (1.0 / np.sqrt(D))
    b = jax.random.normal(k4, (D,), dtype=jnp.float32) * 0.01
    return {"z": z, "edge_index": edge_index, "W": W, "b": b}

def reference(z, edge_index, W, b):
    N = z.shape[0]
    # linear transform
    x = z @ W
    src = edge_index[0]
    dst = edge_index[1]
    # add self-loops (PyG GCNConv default)
    loop = jnp.arange(N, dtype=edge_index.dtype)
    src = jnp.concatenate([src, loop])
    dst = jnp.concatenate([dst, loop])
    # symmetric normalization D^{-1/2} (A+I) D^{-1/2}
    deg = jnp.zeros((N,), dtype=x.dtype).at[dst].add(1.0)
    deg_inv_sqrt = jnp.where(deg > 0, 1.0 / jnp.sqrt(deg), 0.0)
    norm = deg_inv_sqrt[src] * deg_inv_sqrt[dst]
    # gather source features, scale, scatter-add to destination
    msgs = x[src] * norm[:, None]
    out = jnp.zeros((N, x.shape[1]), dtype=x.dtype).at[dst].add(msgs)
    out = out + b
    h = jax.nn.relu(out)
    # structure reconstruction: dense inner-product decoder
    a_hat = h @ h.T
    return a_hat

if __name__ == "__main__":
    import jax
    _d = setup_inputs()
    print(jax.jit(kernel)(*tuple(_d.values())))

</pallas_src>

<mosaic_0001>
#map = affine_map<(d0, d1) -> (0, 0, 0)>
#map1 = affine_map<(d0, d1) -> (0, 0)>
module attributes {stable_mosaic.version = 14 : i64} {
  func.func @_scat_body(%arg0: i32, %arg1: i32, %arg2: memref<2560x4x128xi32, #tpu.memory_space<hbm>>, %arg3: memref<10240x64xf32, #tpu.memory_space<hbm>>, %arg4: memref<128x64xf32, #tpu.memory_space<hbm>>, %arg5: memref<2x10240x64xf32, #tpu.memory_space<hbm>>, %arg6: memref<80x4x128xi32, #tpu.memory_space<vmem>>, %arg7: memref<2x256x64xf32, #tpu.memory_space<vmem>>, %arg8: memref<10240x64xf32, #tpu.memory_space<vmem_shared>>, %arg9: memref<!tpu.dma_semaphore, #tpu.memory_space<semaphore_mem>>, %arg10: memref<!tpu.dma_semaphore, #tpu.memory_space<semaphore_mem>>) attributes {dimension_semantics = [#tpu.dimension_semantics<core_parallel>, #tpu.dimension_semantics<subcore_parallel>], iteration_bounds = array<i64: 2, 16>, scalar_prefetch = 0 : i64, scratch_operands = 5 : i64, tpu.core_type = #tpu.core_type<sc_vector_subcore>, window_params = [{transform_indices = #map}, {transform_indices = #map1}, {transform_indices = #map1}, {transform_indices = #map}]} {
    %mul3A = arith.constant 2 : i32
    %mul3A_0 = arith.muli %arg1, %mul3A : i32
    %add3A = arith.addi %mul3A_0, %arg0 : i32
    %run_scoped3A = arith.constant 0 : i32
    "tpu.region"() ({
      %run_scoped3A_77 = tpu.sem_alloc : memref<!tpu.dma_semaphore, #tpu.memory_space<semaphore_mem>>
      %dma_start3A_78 = arith.constant 0 : i32
      %dma_start3A_79 = arith.constant 0 : i32
      %dma_start3A_80 = tpu.memref_slice %arg7[%run_scoped3A, %dma_start3A_78, %dma_start3A_79] : memref<2x256x64xf32, #tpu.memory_space<vmem>> -> memref<1x256x64xf32, #tpu.memory_space<vmem>>
      %dma_start3A_81 = tpu.memref_squeeze %dma_start3A_80 : memref<1x256x64xf32, #tpu.memory_space<vmem>> -> memref<256x64xf32, #tpu.memory_space<vmem>>
      %dma_start3A_82 = arith.constant 0 : i32
      %dma_start3A_83 = arith.constant 0 : i32
      %dma_start3A_84 = tpu.memref_slice %dma_start3A_81[%dma_start3A_82, %dma_start3A_83] : memref<256x64xf32, #tpu.memory_space<vmem>> -> memref<128x64xf32, #tpu.memory_space<vmem>>
      %dma_start3A_85 = arith.constant 0 : i32
      %dma_start3A_86 = arith.constant 0 : i32
      %dma_start3A_87 = tpu.memref_slice %arg7[%run_scoped3A, %dma_start3A_85, %dma_start3A_86] : memref<2x256x64xf32, #tpu.memory_space<vmem>> -> memref<1x256x64xf32, #tpu.memory_space<vmem>>
      %dma_start3A_88 = tpu.memref_squeeze %dma_start3A_87 : memref<1x256x64xf32, #tpu.memory_space<vmem>> -> memref<256x64xf32, #tpu.memory_space<vmem>>
      %dma_start3A_89 = arith.constant 0 : i32
      %dma_start3A_90 = arith.constant 0 : i32
      %dma_start3A_91 = tpu.memref_slice %dma_start3A_88[%dma_start3A_89, %dma_start3A_90] : memref<256x64xf32, #tpu.memory_space<vmem>> -> memref<128x64xf32, #tpu.memory_space<vmem>>
      tpu.enqueue_dma source(%arg4 : memref<128x64xf32, #tpu.memory_space<hbm>>) target(%dma_start3A_91 : memref<128x64xf32, #tpu.memory_space<vmem>>) target_semaphore(%run_scoped3A_77 : memref<!tpu.dma_semaphore, #tpu.memory_space<semaphore_mem>>)
      %dma_wait3A = arith.constant 0 : i32
      %dma_wait3A_92 = arith.constant 0 : i32
      %dma_wait3A_93 = tpu.memref_slice %arg7[%run_scoped3A, %dma_wait3A, %dma_wait3A_92] : memref<2x256x64xf32, #tpu.memory_space<vmem>> -> memref<1x256x64xf32, #tpu.memory_space<vmem>>
      %dma_wait3A_94 = tpu.memref_squeeze %dma_wait3A_93 : memref<1x256x64xf32, #tpu.memory_space<vmem>> -> memref<256x64xf32, #tpu.memory_space<vmem>>
      %dma_wait3A_95 = arith.constant 0 : i32
      %dma_wait3A_96 = arith.constant 0 : i32
      %dma_wait3A_97 = tpu.memref_slice %dma_wait3A_94[%dma_wait3A_95, %dma_wait3A_96] : memref<256x64xf32, #tpu.memory_space<vmem>> -> memref<128x64xf32, #tpu.memory_space<vmem>>
      %dma_wait3A_98 = arith.constant 0 : i32
      %dma_wait3A_99 = arith.constant 0 : i32
      %dma_wait3A_100 = tpu.memref_slice %arg7[%run_scoped3A, %dma_wait3A_98, %dma_wait3A_99] : memref<2x256x64xf32, #tpu.memory_space<vmem>> -> memref<1x256x64xf32, #tpu.memory_space<vmem>>
      %dma_wait3A_101 = tpu.memref_squeeze %dma_wait3A_100 : memref<1x256x64xf32, #tpu.memory_space<vmem>> -> memref<256x64xf32, #tpu.memory_space<vmem>>
      %dma_wait3A_102 = arith.constant 0 : i32
      %dma_wait3A_103 = arith.constant 0 : i32
      %dma_wait3A_104 = tpu.memref_slice %dma_wait3A_101[%dma_wait3A_102, %dma_wait3A_103] : memref<256x64xf32, #tpu.memory_space<vmem>> -> memref<128x64xf32, #tpu.memory_space<vmem>>
      tpu.wait_dma2 semaphore(%run_scoped3A_77 : memref<!tpu.dma_semaphore, #tpu.memory_space<semaphore_mem>>) src(%arg4 : memref<128x64xf32, #tpu.memory_space<hbm>>) dst(%dma_wait3A_104 : memref<128x64xf32, #tpu.memory_space<vmem>>)
      tpu.yield
    }) : () -> ()
    %mul3A_1 = arith.constant 640 : i32
    %mul3A_2 = arith.muli %arg1, %mul3A_1 : i32
    %add3A_3 = arith.constant 0 : i32
    %add3A_4 = arith.addi %mul3A_2, %add3A_3 : i32
    %run_scoped3A_5 = arith.constant 0 : i32
    "tpu.region"() ({
      %run_scoped3A_77 = tpu.sem_alloc : memref<!tpu.dma_semaphore, #tpu.memory_space<semaphore_mem>>
      %dma_start3A_78 = arith.constant 0 : i32
      %dma_start3A_79 = arith.constant 0 : i32
      %dma_start3A_80 = tpu.memref_slice %arg7[%run_scoped3A_5, %dma_start3A_78, %dma_start3A_79] : memref<2x256x64xf32, #tpu.memory_space<vmem>> -> memref<1x256x64xf32, #tpu.memory_space<vmem>>
      %dma_start3A_81 = tpu.memref_squeeze %dma_start3A_80 : memref<1x256x64xf32, #tpu.memory_space<vmem>> -> memref<256x64xf32, #tpu.memory_space<vmem>>
      %dma_start3A_82 = arith.constant 0 : i32
      %dma_start3A_83 = arith.constant 0 : i32
      %dma_start3A_84 = tpu.memref_slice %dma_start3A_81[%dma_start3A_82, %dma_start3A_83] : memref<256x64xf32, #tpu.memory_space<vmem>> -> memref<128x64xf32, #tpu.memory_space<vmem>>
      %dma_start3A_85 = arith.constant 0 : i32
      %dma_start3A_86 = tpu.memref_slice %arg8[%add3A_4, %dma_start3A_85] : memref<10240x64xf32, #tpu.memory_space<vmem_shared>> -> memref<128x64xf32, #tpu.memory_space<vmem_shared>>
      %dma_start3A_87 = arith.constant 0 : i32
      %dma_start3A_88 = tpu.memref_slice %arg8[%add3A_4, %dma_start3A_87] : memref<10240x64xf32, #tpu.memory_space<vmem_shared>> -> memref<128x64xf32, #tpu.memory_space<vmem_shared>>
      %dma_start3A_89 = arith.constant 0 : i32
      %dma_start3A_90 = arith.constant 0 : i32
      %dma_start3A_91 = tpu.memref_slice %arg7[%run_scoped3A_5, %dma_start3A_89, %dma_start3A_90] : memref<2x256x64xf32, #tpu.memory_space<vmem>> -> memref<1x256x64xf32, #tpu.memory_space<vmem>>
      %dma_start3A_92 = tpu.memref_squeeze %dma_start3A_91 : memref<1x256x64xf32, #tpu.memory_space<vmem>> -> memref<256x64xf32, #tpu.memory_space<vmem>>
      %dma_start3A_93 = arith.constant 0 : i32
      %dma_start3A_94 = arith.constant 0 : i32
      %dma_start3A_95 = tpu.memref_slice %dma_start3A_92[%dma_start3A_93, %dma_start3A_94] : memref<256x64xf32, #tpu.memory_space<vmem>> -> memref<128x64xf32, #tpu.memory_space<vmem>>
      tpu.enqueue_dma source(%dma_start3A_95 : memref<128x64xf32, #tpu.memory_space<vmem>>) target(%dma_start3A_88 : memref<128x64xf32, #tpu.memory_space<vmem_shared>>) target_semaphore(%run_scoped3A_77 : memref<!tpu.dma_semaphore, #tpu.memory_space<semaphore_mem>>)
      %dma_wait3A = arith.constant 0 : i32
      %dma_wait3A_96 = arith.constant 0 : i32
      %dma_wait3A_97 = tpu.memref_slice %arg7[%run_scoped3A_5, %dma_wait3A, %dma_wait3A_96] : memref<2x256x64xf32, #tpu.memory_space<vmem>> -> memref<1x256x64xf32, #tpu.memory_space<vmem>>
      %dma_wait3A_98 = tpu.memref_squeeze %dma_wait3A_97 : memref<1x256x64xf32, #tpu.memory_space<vmem>> -> memref<256x64xf32, #tpu.memory_space<vmem>>
      %dma_wait3A_99 = arith.constant 0 : i32
      %dma_wait3A_100 = arith.constant 0 : i32
      %dma_wait3A_101 = tpu.memref_slice %dma_wait3A_98[%dma_wait3A_99, %dma_wait3A_100] : memref<256x64xf32, #tpu.memory_space<vmem>> -> memref<128x64xf32, #tpu.memory_space<vmem>>
      %dma_wait3A_102 = arith.constant 0 : i32
      %dma_wait3A_103 = tpu.memref_slice %arg8[%add3A_4, %dma_wait3A_102] : memref<10240x64xf32, #tpu.memory_space<vmem_shared>> -> memref<128x64xf32, #tpu.memory_space<vmem_shared>>
      %dma_wait3A_104 = arith.constant 0 : i32
      %dma_wait3A_105 = tpu.memref_slice %arg8[%add3A_4, %dma_wait3A_104] : memref<10240x64xf32, #tpu.memory_space<vmem_shared>> -> memref<128x64xf32, #tpu.memory_space<vmem_shared>>
      %dma_wait3A_106 = arith.constant 0 : i32
      %dma_wait3A_107 = arith.constant 0 : i32
      %dma_wait3A_108 = tpu.memref_slice %arg7[%run_scoped3A_5, %dma_wait3A_106, %dma_wait3A_107] : memref<2x256x64xf32, #tpu.memory_space<vmem>> -> memref<1x256x64xf32, #tpu.memory_space<vmem>>
      %dma_wait3A_109 = tpu.memref_squeeze %dma_wait3A_108 : memref<1x256x64xf32, #tpu.memory_space<vmem>> -> memref<256x64xf32, #tpu.memory_space<vmem>>
      %dma_wait3A_110 = arith.constant 0 : i32
      %dma_wait3A_111 = arith.constant 0 : i32
      %dma_wait3A_112 = tpu.memref_slice %dma_wait3A_109[%dma_wait3A_110, %dma_wait3A_111] : memref<256x64xf32, #tpu.memory_space<vmem>> -> memref<128x64xf32, #tpu.memory_space<vmem>>
      tpu.wait_dma2 semaphore(%run_scoped3A_77 : memref<!tpu.dma_semaphore, #tpu.memory_space<semaphore_mem>>) src(%dma_wait3A_112 : memref<128x64xf32, #tpu.memory_space<vmem>>) dst(%dma_wait3A_105 : memref<128x64xf32, #tpu.memory_space<vmem_shared>>)
      tpu.yield
    }) : () -> ()
    %mul3A_6 = arith.constant 640 : i32
    %mul3A_7 = arith.muli %arg1, %mul3A_6 : i32
    %add3A_8 = arith.constant 128 : i32
    %add3A_9 = arith.addi %mul3A_7, %add3A_8 : i32
    %run_scoped3A_10 = arith.constant 0 : i32
    "tpu.region"() ({
      %run_scoped3A_77 = tpu.sem_alloc : memref<!tpu.dma_semaphore, #tpu.memory_space<semaphore_mem>>
      %dma_start3A_78 = arith.constant 0 : i32
      %dma_start3A_79 = arith.constant 0 : i32
      %dma_start3A_80 = tpu.memref_slice %arg7[%run_scoped3A_10, %dma_start3A_78, %dma_start3A_79] : memref<2x256x64xf32, #tpu.memory_space<vmem>> -> memref<1x256x64xf32, #tpu.memory_space<vmem>>
      %dma_start3A_81 = tpu.memref_squeeze %dma_start3A_80 : memref<1x256x64xf32, #tpu.memory_space<vmem>> -> memref<256x64xf32, #tpu.memory_space<vmem>>
      %dma_start3A_82 = arith.constant 0 : i32
      %dma_start3A_83 = arith.constant 0 : i32
      %dma_start3A_84 = tpu.memref_slice %dma_start3A_81[%dma_start3A_82, %dma_start3A_83] : memref<256x64xf32, #tpu.memory_space<vmem>> -> memref<128x64xf32, #tpu.memory_space<vmem>>
      %dma_start3A_85 = arith.constant 0 : i32
      %dma_start3A_86 = tpu.memref_slice %arg8[%add3A_9, %dma_start3A_85] : memref<10240x64xf32, #tpu.memory_space<vmem_shared>> -> memref<128x64xf32, #tpu.memory_space<vmem_shared>>
      %dma_start3A_87 = arith.constant 0 : i32
      %dma_start3A_88 = tpu.memref_slice %arg8[%add3A_9, %dma_start3A_87] : memref<10240x64xf32, #tpu.memory_space<vmem_shared>> -> memref<128x64xf32, #tpu.memory_space<vmem_shared>>
      %dma_start3A_89 = arith.constant 0 : i32
      %dma_start3A_90 = arith.constant 0 : i32
      %dma_start3A_91 = tpu.memref_slice %arg7[%run_scoped3A_10, %dma_start3A_89, %dma_start3A_90] : memref<2x256x64xf32, #tpu.memory_space<vmem>> -> memref<1x256x64xf32, #tpu.memory_space<vmem>>
      %dma_start3A_92 = tpu.memref_squeeze %dma_start3A_91 : memref<1x256x64xf32, #tpu.memory_space<vmem>> -> memref<256x64xf32, #tpu.memory_space<vmem>>
      %dma_start3A_93 = arith.constant 0 : i32
      %dma_start3A_94 = arith.constant 0 : i32
      %dma_start3A_95 = tpu.memref_slice %dma_start3A_92[%dma_start3A_93, %dma_start3A_94] : memref<256x64xf32, #tpu.memory_space<vmem>> -> memref<128x64xf32, #tpu.memory_space<vmem>>
      tpu.enqueue_dma source(%dma_start3A_95 : memref<128x64xf32, #tpu.memory_space<vmem>>) target(%dma_start3A_88 : memref<128x64xf32, #tpu.memory_space<vmem_shared>>) target_semaphore(%run_scoped3A_77 : memref<!tpu.dma_semaphore, #tpu.memory_space<semaphore_mem>>)
      %dma_wait3A = arith.constant 0 : i32
      %dma_wait3A_96 = arith.constant 0 : i32
      %dma_wait3A_97 = tpu.memref_slice %arg7[%run_scoped3A_10, %dma_wait3A, %dma_wait3A_96] : memref<2x256x64xf32, #tpu.memory_space<vmem>> -> memref<1x256x64xf32, #tpu.memory_space<vmem>>
      %dma_wait3A_98 = tpu.memref_squeeze %dma_wait3A_97 : memref<1x256x64xf32, #tpu.memory_space<vmem>> -> memref<256x64xf32, #tpu.memory_space<vmem>>
      %dma_wait3A_99 = arith.constant 0 : i32
      %dma_wait3A_100 = arith.constant 0 : i32
      %dma_wait3A_101 = tpu.memref_slice %dma_wait3A_98[%dma_wait3A_99, %dma_wait3A_100] : memref<256x64xf32, #tpu.memory_space<vmem>> -> memref<128x64xf32, #tpu.memory_space<vmem>>
      %dma_wait3A_102 = arith.constant 0 : i32
      %dma_wait3A_103 = tpu.memref_slice %arg8[%add3A_9, %dma_wait3A_102] : memref<10240x64xf32, #tpu.memory_space<vmem_shared>> -> memref<128x64xf32, #tpu.memory_space<vmem_shared>>
      %dma_wait3A_104 = arith.constant 0 : i32
      %dma_wait3A_105 = tpu.memref_slice %arg8[%add3A_9, %dma_wait3A_104] : memref<10240x64xf32, #tpu.memory_space<vmem_shared>> -> memref<128x64xf32, #tpu.memory_space<vmem_shared>>
      %dma_wait3A_106 = arith.constant 0 : i32
      %dma_wait3A_107 = arith.constant 0 : i32
      %dma_wait3A_108 = tpu.memref_slice %arg7[%run_scoped3A_10, %dma_wait3A_106, %dma_wait3A_107] : memref<2x256x64xf32, #tpu.memory_space<vmem>> -> memref<1x256x64xf32, #tpu.memory_space<vmem>>
      %dma_wait3A_109 = tpu.memref_squeeze %dma_wait3A_108 : memref<1x256x64xf32, #tpu.memory_space<vmem>> -> memref<256x64xf32, #tpu.memory_space<vmem>>
      %dma_wait3A_110 = arith.constant 0 : i32
      %dma_wait3A_111 = arith.constant 0 : i32
      %dma_wait3A_112 = tpu.memref_slice %dma_wait3A_109[%dma_wait3A_110, %dma_wait3A_111] : memref<256x64xf32, #tpu.memory_space<vmem>> -> memref<128x64xf32, #tpu.memory_space<vmem>>
      tpu.wait_dma2 semaphore(%run_scoped3A_77 : memref<!tpu.dma_semaphore, #tpu.memory_space<semaphore_mem>>) src(%dma_wait3A_112 : memref<128x64xf32, #tpu.memory_space<vmem>>) dst(%dma_wait3A_105 : memref<128x64xf32, #tpu.memory_space<vmem_shared>>)
      tpu.yield
    }) : () -> ()
    %mul3A_11 = arith.constant 640 : i32
    %mul3A_12 = arith.muli %arg1, %mul3A_11 : i32
    %add3A_13 = arith.constant 256 : i32
    %add3A_14 = arith.addi %mul3A_12, %add3A_13 : i32
    %run_scoped3A_15 = arith.constant 0 : i32
    "tpu.region"() ({
      %run_scoped3A_77 = tpu.sem_alloc : memref<!tpu.dma_semaphore, #tpu.memory_space<semaphore_mem>>
      %dma_start3A_78 = arith.constant 0 : i32
      %dma_start3A_79 = arith.constant 0 : i32
      %dma_start3A_80 = tpu.memref_slice %arg7[%run_scoped3A_15, %dma_start3A_78, %dma_start3A_79] : memref<2x256x64xf32, #tpu.memory_space<vmem>> -> memref<1x256x64xf32, #tpu.memory_space<vmem>>
      %dma_start3A_81 = tpu.memref_squeeze %dma_start3A_80 : memref<1x256x64xf32, #tpu.memory_space<vmem>> -> memref<256x64xf32, #tpu.memory_space<vmem>>
      %dma_start3A_82 = arith.constant 0 : i32
      %dma_start3A_83 = arith.constant 0 : i32
      %dma_start3A_84 = tpu.memref_slice %dma_start3A_81[%dma_start3A_82, %dma_start3A_83] : memref<256x64xf32, #tpu.memory_space<vmem>> -> memref<128x64xf32, #tpu.memory_space<vmem>>
      %dma_start3A_85 = arith.constant 0 : i32
      %dma_start3A_86 = tpu.memref_slice %arg8[%add3A_14, %dma_start3A_85] : memref<10240x64xf32, #tpu.memory_space<vmem_shared>> -> memref<128x64xf32, #tpu.memory_space<vmem_shared>>
      %dma_start3A_87 = arith.constant 0 : i32
      %dma_start3A_88 = tpu.memref_slice %arg8[%add3A_14, %dma_start3A_87] : memref<10240x64xf32, #tpu.memory_space<vmem_shared>> -> memref<128x64xf32, #tpu.memory_space<vmem_shared>>
      %dma_start3A_89 = arith.constant 0 : i32
      %dma_start3A_90 = arith.constant 0 : i32
      %dma_start3A_91 = tpu.memref_slice %arg7[%run_scoped3A_15, %dma_start3A_89, %dma_start3A_90] : memref<2x256x64xf32, #tpu.memory_space<vmem>> -> memref<1x256x64xf32, #tpu.memory_space<vmem>>
      %dma_start3A_92 = tpu.memref_squeeze %dma_start3A_91 : memref<1x256x64xf32, #tpu.memory_space<vmem>> -> memref<256x64xf32, #tpu.memory_space<vmem>>
      %dma_start3A_93 = arith.constant 0 : i32
      %dma_start3A_94 = arith.constant 0 : i32
      %dma_start3A_95 = tpu.memref_slice %dma_start3A_92[%dma_start3A_93, %dma_start3A_94] : memref<256x64xf32, #tpu.memory_space<vmem>> -> memref<128x64xf32, #tpu.memory_space<vmem>>
      tpu.enqueue_dma source(%dma_start3A_95 : memref<128x64xf32, #tpu.memory_space<vmem>>) target(%dma_start3A_88 : memref<128x64xf32, #tpu.memory_space<vmem_shared>>) target_semaphore(%run_scoped3A_77 : memref<!tpu.dma_semaphore, #tpu.memory_space<semaphore_mem>>)
      %dma_wait3A = arith.constant 0 : i32
      %dma_wait3A_96 = arith.constant 0 : i32
      %dma_wait3A_97 = tpu.memref_slice %arg7[%run_scoped3A_15, %dma_wait3A, %dma_wait3A_96] : memref<2x256x64xf32, #tpu.memory_space<vmem>> -> memref<1x256x64xf32, #tpu.memory_space<vmem>>
      %dma_wait3A_98 = tpu.memref_squeeze %dma_wait3A_97 : memref<1x256x64xf32, #tpu.memory_space<vmem>> -> memref<256x64xf32, #tpu.memory_space<vmem>>
      %dma_wait3A_99 = arith.constant 0 : i32
      %dma_wait3A_100 = arith.constant 0 : i32
      %dma_wait3A_101 = tpu.memref_slice %dma_wait3A_98[%dma_wait3A_99, %dma_wait3A_100] : memref<256x64xf32, #tpu.memory_space<vmem>> -> memref<128x64xf32, #tpu.memory_space<vmem>>
      %dma_wait3A_102 = arith.constant 0 : i32
      %dma_wait3A_103 = tpu.memref_slice %arg8[%add3A_14, %dma_wait3A_102] : memref<10240x64xf32, #tpu.memory_space<vmem_shared>> -> memref<128x64xf32, #tpu.memory_space<vmem_shared>>
      %dma_wait3A_104 = arith.constant 0 : i32
      %dma_wait3A_105 = tpu.memref_slice %arg8[%add3A_14, %dma_wait3A_104] : memref<10240x64xf32, #tpu.memory_space<vmem_shared>> -> memref<128x64xf32, #tpu.memory_space<vmem_shared>>
      %dma_wait3A_106 = arith.constant 0 : i32
      %dma_wait3A_107 = arith.constant 0 : i32
      %dma_wait3A_108 = tpu.memref_slice %arg7[%run_scoped3A_15, %dma_wait3A_106, %dma_wait3A_107] : memref<2x256x64xf32, #tpu.memory_space<vmem>> -> memref<1x256x64xf32, #tpu.memory_space<vmem>>
      %dma_wait3A_109 = tpu.memref_squeeze %dma_wait3A_108 : memref<1x256x64xf32, #tpu.memory_space<vmem>> -> memref<256x64xf32, #tpu.memory_space<vmem>>
      %dma_wait3A_110 = arith.constant 0 : i32
      %dma_wait3A_111 = arith.constant 0 : i32
      %dma_wait3A_112 = tpu.memref_slice %dma_wait3A_109[%dma_wait3A_110, %dma_wait3A_111] : memref<256x64xf32, #tpu.memory_space<vmem>> -> memref<128x64xf32, #tpu.memory_space<vmem>>
      tpu.wait_dma2 semaphore(%run_scoped3A_77 : memref<!tpu.dma_semaphore, #tpu.memory_space<semaphore_mem>>) src(%dma_wait3A_112 : memref<128x64xf32, #tpu.memory_space<vmem>>) dst(%dma_wait3A_105 : memref<128x64xf32, #tpu.memory_space<vmem_shared>>)
      tpu.yield
    }) : () -> ()
    %mul3A_16 = arith.constant 640 : i32
    %mul3A_17 = arith.muli %arg1, %mul3A_16 : i32
    %add3A_18 = arith.constant 384 : i32
    %add3A_19 = arith.addi %mul3A_17, %add3A_18 : i32
    %run_scoped3A_20 = arith.constant 0 : i32
    "tpu.region"() ({
      %run_scoped3A_77 = tpu.sem_alloc : memref<!tpu.dma_semaphore, #tpu.memory_space<semaphore_mem>>
      %dma_start3A_78 = arith.constant 0 : i32
      %dma_start3A_79 = arith.constant 0 : i32
      %dma_start3A_80 = tpu.memref_slice %arg7[%run_scoped3A_20, %dma_start3A_78, %dma_start3A_79] : memref<2x256x64xf32, #tpu.memory_space<vmem>> -> memref<1x256x64xf32, #tpu.memory_space<vmem>>
      %dma_start3A_81 = tpu.memref_squeeze %dma_start3A_80 : memref<1x256x64xf32, #tpu.memory_space<vmem>> -> memref<256x64xf32, #tpu.memory_space<vmem>>
      %dma_start3A_82 = arith.constant 0 : i32
      %dma_start3A_83 = arith.constant 0 : i32
      %dma_start3A_84 = tpu.memref_slice %dma_start3A_81[%dma_start3A_82, %dma_start3A_83] : memref<256x64xf32, #tpu.memory_space<vmem>> -> memref<128x64xf32, #tpu.memory_space<vmem>>
      %dma_start3A_85 = arith.constant 0 : i32
      %dma_start3A_86 = tpu.memref_slice %arg8[%add3A_19, %dma_start3A_85] : memref<10240x64xf32, #tpu.memory_space<vmem_shared>> -> memref<128x64xf32, #tpu.memory_space<vmem_shared>>
      %dma_start3A_87 = arith.constant 0 : i32
      %dma_start3A_88 = tpu.memref_slice %arg8[%add3A_19, %dma_start3A_87] : memref<10240x64xf32, #tpu.memory_space<vmem_shared>> -> memref<128x64xf32, #tpu.memory_space<vmem_shared>>
      %dma_start3A_89 = arith.constant 0 : i32
      %dma_start3A_90 = arith.constant 0 : i32
      %dma_start3A_91 = tpu.memref_slice %arg7[%run_scoped3A_20, %dma_start3A_89, %dma_start3A_90] : memref<2x256x64xf32, #tpu.memory_space<vmem>> -> memref<1x256x64xf32, #tpu.memory_space<vmem>>
      %dma_start3A_92 = tpu.memref_squeeze %dma_start3A_91 : memref<1x256x64xf32, #tpu.memory_space<vmem>> -> memref<256x64xf32, #tpu.memory_space<vmem>>
      %dma_start3A_93 = arith.constant 0 : i32
      %dma_start3A_94 = arith.constant 0 : i32
      %dma_start3A_95 = tpu.memref_slice %dma_start3A_92[%dma_start3A_93, %dma_start3A_94] : memref<256x64xf32, #tpu.memory_space<vmem>> -> memref<128x64xf32, #tpu.memory_space<vmem>>
      tpu.enqueue_dma source(%dma_start3A_95 : memref<128x64xf32, #tpu.memory_space<vmem>>) target(%dma_start3A_88 : memref<128x64xf32, #tpu.memory_space<vmem_shared>>) target_semaphore(%run_scoped3A_77 : memref<!tpu.dma_semaphore, #tpu.memory_space<semaphore_mem>>)
      %dma_wait3A = arith.constant 0 : i32
      %dma_wait3A_96 = arith.constant 0 : i32
      %dma_wait3A_97 = tpu.memref_slice %arg7[%run_scoped3A_20, %dma_wait3A, %dma_wait3A_96] : memref<2x256x64xf32, #tpu.memory_space<vmem>> -> memref<1x256x64xf32, #tpu.memory_space<vmem>>
      %dma_wait3A_98 = tpu.memref_squeeze %dma_wait3A_97 : memref<1x256x64xf32, #tpu.memory_space<vmem>> -> memref<256x64xf32, #tpu.memory_space<vmem>>
      %dma_wait3A_99 = arith.constant 0 : i32
      %dma_wait3A_100 = arith.constant 0 : i32
      %dma_wait3A_101 = tpu.memref_slice %dma_wait3A_98[%dma_wait3A_99, %dma_wait3A_100] : memref<256x64xf32, #tpu.memory_space<vmem>> -> memref<128x64xf32, #tpu.memory_space<vmem>>
      %dma_wait3A_102 = arith.constant 0 : i32
      %dma_wait3A_103 = tpu.memref_slice %arg8[%add3A_19, %dma_wait3A_102] : memref<10240x64xf32, #tpu.memory_space<vmem_shared>> -> memref<128x64xf32, #tpu.memory_space<vmem_shared>>
      %dma_wait3A_104 = arith.constant 0 : i32
      %dma_wait3A_105 = tpu.memref_slice %arg8[%add3A_19, %dma_wait3A_104] : memref<10240x64xf32, #tpu.memory_space<vmem_shared>> -> memref<128x64xf32, #tpu.memory_space<vmem_shared>>
      %dma_wait3A_106 = arith.constant 0 : i32
      %dma_wait3A_107 = arith.constant 0 : i32
      %dma_wait3A_108 = tpu.memref_slice %arg7[%run_scoped3A_20, %dma_wait3A_106, %dma_wait3A_107] : memref<2x256x64xf32, #tpu.memory_space<vmem>> -> memref<1x256x64xf32, #tpu.memory_space<vmem>>
      %dma_wait3A_109 = tpu.memref_squeeze %dma_wait3A_108 : memref<1x256x64xf32, #tpu.memory_space<vmem>> -> memref<256x64xf32, #tpu.memory_space<vmem>>
      %dma_wait3A_110 = arith.constant 0 : i32
      %dma_wait3A_111 = arith.constant 0 : i32
      %dma_wait3A_112 = tpu.memref_slice %dma_wait3A_109[%dma_wait3A_110, %dma_wait3A_111] : memref<256x64xf32, #tpu.memory_space<vmem>> -> memref<128x64xf32, #tpu.memory_space<vmem>>
      tpu.wait_dma2 semaphore(%run_scoped3A_77 : memref<!tpu.dma_semaphore, #tpu.memory_space<semaphore_mem>>) src(%dma_wait3A_112 : memref<128x64xf32, #tpu.memory_space<vmem>>) dst(%dma_wait3A_105 : memref<128x64xf32, #tpu.memory_space<vmem_shared>>)
      tpu.yield
    }) : () -> ()
    %mul3A_21 = arith.constant 640 : i32
    %mul3A_22 = arith.muli %arg1, %mul3A_21 : i32
    %add3A_23 = arith.constant 512 : i32
    %add3A_24 = arith.addi %mul3A_22, %add3A_23 : i32
    %run_scoped3A_25 = arith.constant 0 : i32
    "tpu.region"() ({
      %run_scoped3A_77 = tpu.sem_alloc : memref<!tpu.dma_semaphore, #tpu.memory_space<semaphore_mem>>
      %dma_start3A_78 = arith.constant 0 : i32
      %dma_start3A_79 = arith.constant 0 : i32
      %dma_start3A_80 = tpu.memref_slice %arg7[%run_scoped3A_25, %dma_start3A_78, %dma_start3A_79] : memref<2x256x64xf32, #tpu.memory_space<vmem>> -> memref<1x256x64xf32, #tpu.memory_space<vmem>>
      %dma_start3A_81 = tpu.memref_squeeze %dma_start3A_80 : memref<1x256x64xf32, #tpu.memory_space<vmem>> -> memref<256x64xf32, #tpu.memory_space<vmem>>
      %dma_start3A_82 = arith.constant 0 : i32
      %dma_start3A_83 = arith.constant 0 : i32
      %dma_start3A_84 = tpu.memref_slice %dma_start3A_81[%dma_start3A_82, %dma_start3A_83] : memref<256x64xf32, #tpu.memory_space<vmem>> -> memref<128x64xf32, #tpu.memory_space<vmem>>
      %dma_start3A_85 = arith.constant 0 : i32
      %dma_start3A_86 = tpu.memref_slice %arg8[%add3A_24, %dma_start3A_85] : memref<10240x64xf32, #tpu.memory_space<vmem_shared>> -> memref<128x64xf32, #tpu.memory_space<vmem_shared>>
      %dma_start3A_87 = arith.constant 0 : i32
      %dma_start3A_88 = tpu.memref_slice %arg8[%add3A_24, %dma_start3A_87] : memref<10240x64xf32, #tpu.memory_space<vmem_shared>> -> memref<128x64xf32, #tpu.memory_space<vmem_shared>>
      %dma_start3A_89 = arith.constant 0 : i32
      %dma_start3A_90 = arith.constant 0 : i32
      %dma_start3A_91 = tpu.memref_slice %arg7[%run_scoped3A_25, %dma_start3A_89, %dma_start3A_90] : memref<2x256x64xf32, #tpu.memory_space<vmem>> -> memref<1x256x64xf32, #tpu.memory_space<vmem>>
      %dma_start3A_92 = tpu.memref_squeeze %dma_start3A_91 : memref<1x256x64xf32, #tpu.memory_space<vmem>> -> memref<256x64xf32, #tpu.memory_space<vmem>>
      %dma_start3A_93 = arith.constant 0 : i32
      %dma_start3A_94 = arith.constant 0 : i32
      %dma_start3A_95 = tpu.memref_slice %dma_start3A_92[%dma_start3A_93, %dma_start3A_94] : memref<256x64xf32, #tpu.memory_space<vmem>> -> memref<128x64xf32, #tpu.memory_space<vmem>>
      tpu.enqueue_dma source(%dma_start3A_95 : memref<128x64xf32, #tpu.memory_space<vmem>>) target(%dma_start3A_88 : memref<128x64xf32, #tpu.memory_space<vmem_shared>>) target_semaphore(%run_scoped3A_77 : memref<!tpu.dma_semaphore, #tpu.memory_space<semaphore_mem>>)
      %dma_wait3A = arith.constant 0 : i32
      %dma_wait3A_96 = arith.constant 0 : i32
      %dma_wait3A_97 = tpu.memref_slice %arg7[%run_scoped3A_25, %dma_wait3A, %dma_wait3A_96] : memref<2x256x64xf32, #tpu.memory_space<vmem>> -> memref<1x256x64xf32, #tpu.memory_space<vmem>>
      %dma_wait3A_98 = tpu.memref_squeeze %dma_wait3A_97 : memref<1x256x64xf32, #tpu.memory_space<vmem>> -> memref<256x64xf32, #tpu.memory_space<vmem>>
      %dma_wait3A_99 = arith.constant 0 : i32
      %dma_wait3A_100 = arith.constant 0 : i32
      %dma_wait3A_101 = tpu.memref_slice %dma_wait3A_98[%dma_wait3A_99, %dma_wait3A_100] : memref<256x64xf32, #tpu.memory_space<vmem>> -> memref<128x64xf32, #tpu.memory_space<vmem>>
      %dma_wait3A_102 = arith.constant 0 : i32
      %dma_wait3A_103 = tpu.memref_slice %arg8[%add3A_24, %dma_wait3A_102] : memref<10240x64xf32, #tpu.memory_space<vmem_shared>> -> memref<128x64xf32, #tpu.memory_space<vmem_shared>>
      %dma_wait3A_104 = arith.constant 0 : i32
      %dma_wait3A_105 = tpu.memref_slice %arg8[%add3A_24, %dma_wait3A_104] : memref<10240x64xf32, #tpu.memory_space<vmem_shared>> -> memref<128x64xf32, #tpu.memory_space<vmem_shared>>
      %dma_wait3A_106 = arith.constant 0 : i32
      %dma_wait3A_107 = arith.constant 0 : i32
      %dma_wait3A_108 = tpu.memref_slice %arg7[%run_scoped3A_25, %dma_wait3A_106, %dma_wait3A_107] : memref<2x256x64xf32, #tpu.memory_space<vmem>> -> memref<1x256x64xf32, #tpu.memory_space<vmem>>
      %dma_wait3A_109 = tpu.memref_squeeze %dma_wait3A_108 : memref<1x256x64xf32, #tpu.memory_space<vmem>> -> memref<256x64xf32, #tpu.memory_space<vmem>>
      %dma_wait3A_110 = arith.constant 0 : i32
      %dma_wait3A_111 = arith.constant 0 : i32
      %dma_wait3A_112 = tpu.memref_slice %dma_wait3A_109[%dma_wait3A_110, %dma_wait3A_111] : memref<256x64xf32, #tpu.memory_space<vmem>> -> memref<128x64xf32, #tpu.memory_space<vmem>>
      tpu.wait_dma2 semaphore(%run_scoped3A_77 : memref<!tpu.dma_semaphore, #tpu.memory_space<semaphore_mem>>) src(%dma_wait3A_112 : memref<128x64xf32, #tpu.memory_space<vmem>>) dst(%dma_wait3A_105 : memref<128x64xf32, #tpu.memory_space<vmem_shared>>)
      tpu.yield
    }) : () -> ()
    %mul3A_26 = arith.constant 80 : i32
    %mul3A_27 = arith.muli %add3A, %mul3A_26 : i32
    "tpu.region"() ({
      %run_scoped3A_77 = tpu.sem_alloc : memref<!tpu.dma_semaphore, #tpu.memory_space<semaphore_mem>>
      %dma_start3A_78 = arith.constant 0 : i32
      %dma_start3A_79 = arith.constant 0 : i32
      %dma_start3A_80 = tpu.memref_slice %arg2[%mul3A_27, %dma_start3A_78, %dma_start3A_79] : memref<2560x4x128xi32, #tpu.memory_space<hbm>> -> memref<80x4x128xi32, #tpu.memory_space<hbm>>
      %dma_start3A_81 = arith.constant 0 : i32
      %dma_start3A_82 = arith.constant 0 : i32
      %dma_start3A_83 = tpu.memref_slice %arg2[%mul3A_27, %dma_start3A_81, %dma_start3A_82] : memref<2560x4x128xi32, #tpu.memory_space<hbm>> -> memref<80x4x128xi32, #tpu.memory_space<hbm>>
      tpu.enqueue_dma source(%dma_start3A_83 : memref<80x4x128xi32, #tpu.memory_space<hbm>>) target(%arg6 : memref<80x4x128xi32, #tpu.memory_space<vmem>>) target_semaphore(%run_scoped3A_77 : memref<!tpu.dma_semaphore, #tpu.memory_space<semaphore_mem>>)
      %dma_wait3A = arith.constant 0 : i32
      %dma_wait3A_84 = arith.constant 0 : i32
      %dma_wait3A_85 = tpu.memref_slice %arg2[%mul3A_27, %dma_wait3A, %dma_wait3A_84] : memref<2560x4x128xi32, #tpu.memory_space<hbm>> -> memref<80x4x128xi32, #tpu.memory_space<hbm>>
      %dma_wait3A_86 = arith.constant 0 : i32
      %dma_wait3A_87 = arith.constant 0 : i32
      %dma_wait3A_88 = tpu.memref_slice %arg2[%mul3A_27, %dma_wait3A_86, %dma_wait3A_87] : memref<2560x4x128xi32, #tpu.memory_space<hbm>> -> memref<80x4x128xi32, #tpu.memory_space<hbm>>
      tpu.wait_dma2 semaphore(%run_scoped3A_77 : memref<!tpu.dma_semaphore, #tpu.memory_space<semaphore_mem>>) src(%dma_wait3A_88 : memref<80x4x128xi32, #tpu.memory_space<hbm>>) dst(%arg6 : memref<80x4x128xi32, #tpu.memory_space<vmem>>)
      tpu.yield
    }) : () -> ()
    %barrier3A = arith.constant 0 : index
    tpu.barrier barrier_id(%barrier3A)
    %dma_start3A = arith.constant 0 : i32
    %dma_start3A_28 = arith.constant 0 : i32
    %dma_start3A_29 = arith.constant 0 : i32
    %dma_start3A_30 = arith.constant 0 : i32
    %dma_start3A_31 = arith.constant 0 : i32
    %dma_start3A_32 = tpu.memref_slice %arg7[%dma_start3A_29, %dma_start3A_30, %dma_start3A_31] : memref<2x256x64xf32, #tpu.memory_space<vmem>> -> memref<1x256x64xf32, #tpu.memory_space<vmem>>
    %dma_start3A_33 = tpu.memref_squeeze %dma_start3A_32 : memref<1x256x64xf32, #tpu.memory_space<vmem>> -> memref<256x64xf32, #tpu.memory_space<vmem>>
    %dma_start3A_34 = arith.constant 0 : i32
    %dma_start3A_35 = arith.constant 0 : i32
    %dma_start3A_36 = tpu.memref_slice %dma_start3A_33[%dma_start3A_34, %dma_start3A_35] : memref<256x64xf32, #tpu.memory_space<vmem>> -> memref<128x64xf32, #tpu.memory_space<vmem>>
    %dma_start3A_37 = arith.constant 0 : i32
    %dma_start3A_38 = arith.constant 0 : i32
    %dma_start3A_39 = tpu.memref_slice %arg6[%dma_start3A, %dma_start3A_37, %dma_start3A_38] : memref<80x4x128xi32, #tpu.memory_space<vmem>> -> memref<1x4x128xi32, #tpu.memory_space<vmem>>
    %dma_start3A_40 = tpu.memref_squeeze %dma_start3A_39 : memref<1x4x128xi32, #tpu.memory_space<vmem>> -> memref<4x128xi32, #tpu.memory_space<vmem>>
    %dma_start3A_41 = arith.constant 0 : i32
    %dma_start3A_42 = tpu.memref_slice %dma_start3A_40[%dma_start3A_28, %dma_start3A_41] : memref<4x128xi32, #tpu.memory_space<vmem>> -> memref<1x128xi32, #tpu.memory_space<vmem>>
    %dma_start3A_43 = tpu.memref_squeeze %dma_start3A_42 : memref<1x128xi32, #tpu.memory_space<vmem>> -> memref<128xi32, #tpu.memory_space<vmem>>
    %dma_start3A_44 = arith.constant 0 : i32
    %dma_start3A_45 = arith.constant 0 : i32
    %dma_start3A_46 = tpu.memref_slice %arg3[%dma_start3A_44, %dma_start3A_45] : memref<10240x64xf32, #tpu.memory_space<hbm>> -> memref<10240x64xf32, #tpu.memory_space<hbm>>
    tpu.enqueue_indirect_dma source(%dma_start3A_46 : memref<10240x64xf32, #tpu.memory_space<hbm>>) target(%dma_start3A_36 : memref<128x64xf32, #tpu.memory_space<vmem>>) offsets(%dma_start3A_43 : memref<128xi32, #tpu.memory_space<vmem>>) semaphore(%arg9 : memref<!tpu.dma_semaphore, #tpu.memory_space<semaphore_mem>>)
    %dma_start3A_47 = arith.constant 0 : i32
    %dma_start3A_48 = arith.constant 1 : i32
    %dma_start3A_49 = arith.constant 0 : i32
    %dma_start3A_50 = arith.constant 0 : i32
    %dma_start3A_51 = arith.constant 0 : i32
    %dma_start3A_52 = tpu.memref_slice %arg7[%dma_start3A_49, %dma_start3A_50, %dma_start3A_51] : memref<2x256x64xf32, #tpu.memory_space<vmem>> -> memref<1x256x64xf32, #tpu.memory_space<vmem>>
    %dma_start3A_53 = tpu.memref_squeeze %dma_start3A_52 : memref<1x256x64xf32, #tpu.memory_space<vmem>> -> memref<256x64xf32, #tpu.memory_space<vmem>>
    %dma_start3A_54 = arith.constant 128 : i32
    %dma_start3A_55 = arith.constant 0 : i32
    %dma_start3A_56 = tpu.memref_slice %dma_start3A_53[%dma_start3A_54, %dma_start3A_55] : memref<256x64xf32, #tpu.memory_space<vmem>> -> memref<128x64xf32, #tpu.memory_space<vmem>>
    %dma_start3A_57 = arith.constant 0 : i32
    %dma_start3A_58 = arith.constant 0 : i32
    %dma_start3A_59 = tpu.memref_slice %arg6[%dma_start3A_47, %dma_start3A_57, %dma_start3A_58] : memref<80x4x128xi32, #tpu.memory_space<vmem>> -> memref<1x4x128xi32, #tpu.memory_space<vmem>>
    %dma_start3A_60 = tpu.memref_squeeze %dma_start3A_59 : memref<1x4x128xi32, #tpu.memory_space<vmem>> -> memref<4x128xi32, #tpu.memory_space<vmem>>
    %dma_start3A_61 = arith.constant 0 : i32
    %dma_start3A_62 = tpu.memref_slice %dma_start3A_60[%dma_start3A_48, %dma_start3A_61] : memref<4x128xi32, #tpu.memory_space<vmem>> -> memref<1x128xi32, #tpu.memory_space<vmem>>
    %dma_start3A_63 = tpu.memref_squeeze %dma_start3A_62 : memref<1x128xi32, #tpu.memory_space<vmem>> -> memref<128xi32, #tpu.memory_space<vmem>>
    %dma_start3A_64 = arith.constant 0 : i32
    %dma_start3A_65 = arith.constant 0 : i32
    %dma_start3A_66 = tpu.memref_slice %arg3[%dma_start3A_64, %dma_start3A_65] : memref<10240x64xf32, #tpu.memory_space<hbm>> -> memref<10240x64xf32, #tpu.memory_space<hbm>>
    tpu.enqueue_indirect_dma source(%dma_start3A_66 : memref<10240x64xf32, #tpu.memory_space<hbm>>) target(%dma_start3A_56 : memref<128x64xf32, #tpu.memory_space<vmem>>) offsets(%dma_start3A_63 : memref<128xi32, #tpu.memory_space<vmem>>) semaphore(%arg9 : memref<!tpu.dma_semaphore, #tpu.memory_space<semaphore_mem>>)
    %scan3A = arith.constant 0 : i32
    %scan3A_67 = arith.constant 0 : i32
    %scan3A_68 = arith.constant 40 : i32
    %scan3A_69 = arith.addi %scan3A_67, %scan3A_68 : i32
    %scan3A_70 = arith.constant 1 : i32
    scf.for %scan3A_77 = %scan3A_67 to %scan3A_69 step %scan3A_70  : i32 {
      %mul3A_78 = arith.constant 2 : i32
      %mul3A_79 = arith.muli %mul3A_78, %scan3A_77 : i32
      %add3A_80 = arith.constant 0 : i32
      %add3A_81 = arith.addi %mul3A_79, %add3A_80 : i32
      %add3A_82 = arith.constant 1 : i32
      %add3A_83 = arith.addi %add3A_81, %add3A_82 : i32
      %lt3A = arith.constant 80 : i32
      %lt3A_84 = arith.cmpi slt, %add3A_83, %lt3A : i32
      %convert_element_type3A = arith.extui %lt3A_84 : i1 to i32
      %cond3A = arith.constant 0 : i32
      %cond3A_85 = arith.cmpi ne, %convert_element_type3A, %cond3A : i32
      scf.if %cond3A_85 {
        %add3A_180 = arith.constant 1 : i32
        %add3A_181 = arith.addi %add3A_81, %add3A_180 : i32
        %dma_start3A_182 = arith.constant 0 : i32
        %dma_start3A_183 = arith.constant 1 : i32
        %dma_start3A_184 = arith.constant 0 : i32
        %dma_start3A_185 = arith.constant 0 : i32
        %dma_start3A_186 = tpu.memref_slice %arg7[%dma_start3A_183, %dma_start3A_184, %dma_start3A_185] : memref<2x256x64xf32, #tpu.memory_space<vmem>> -> memref<1x256x64xf32, #tpu.memory_space<vmem>>
        %dma_start3A_187 = tpu.memref_squeeze %dma_start3A_186 : memref<1x256x64xf32, #tpu.memory_space<vmem>> -> memref<256x64xf32, #tpu.memory_space<vmem>>
        %dma_start3A_188 = arith.constant 0 : i32
        %dma_start3A_189 = arith.constant 0 : i32
        %dma_start3A_190 = tpu.memref_slice %dma_start3A_187[%dma_start3A_188, %dma_start3A_189] : memref<256x64xf32, #tpu.memory_space<vmem>> -> memref<128x64xf32, #tpu.memory_space<vmem>>
        %dma_start3A_191 = arith.constant 0 : i32
        %dma_start3A_192 = arith.constant 0 : i32
        %dma_start3A_193 = tpu.memref_slice %arg6[%add3A_181, %dma_start3A_191, %dma_start3A_192] : memref<80x4x128xi32, #tpu.memory_space<vmem>> -> memref<1x4x128xi32, #tpu.memory_space<vmem>>
        %dma_start3A_194 = tpu.memref_squeeze %dma_start3A_193 : memref<1x4x128xi32, #tpu.memory_space<vmem>> -> memref<4x128xi32, #tpu.memory_space<vmem>>
        %dma_start3A_195 = arith.constant 0 : i32
        %dma_start3A_196 = tpu.memref_slice %dma_start3A_194[%dma_start3A_182, %dma_start3A_195] : memref<4x128xi32, #tpu.memory_space<vmem>> -> memref<1x128xi32, #tpu.memory_space<vmem>>
        %dma_start3A_197 = tpu.memref_squeeze %dma_start3A_196 : memref<1x128xi32, #tpu.memory_space<vmem>> -> memref<128xi32, #tpu.memory_space<vmem>>
        %dma_start3A_198 = arith.constant 0 : i32
        %dma_start3A_199 = arith.constant 0 : i32
        %dma_start3A_200 = tpu.memref_slice %arg3[%dma_start3A_198, %dma_start3A_199] : memref<10240x64xf32, #tpu.memory_space<hbm>> -> memref<10240x64xf32, #tpu.memory_space<hbm>>
        tpu.enqueue_indirect_dma source(%dma_start3A_200 : memref<10240x64xf32, #tpu.memory_space<hbm>>) target(%dma_start3A_190 : memref<128x64xf32, #tpu.memory_space<vmem>>) offsets(%dma_start3A_197 : memref<128xi32, #tpu.memory_space<vmem>>) semaphore(%arg10 : memref<!tpu.dma_semaphore, #tpu.memory_space<semaphore_mem>>)
        %dma_start3A_201 = arith.constant 1 : i32
        %dma_start3A_202 = arith.constant 1 : i32
        %dma_start3A_203 = arith.constant 0 : i32
        %dma_start3A_204 = arith.constant 0 : i32
        %dma_start3A_205 = tpu.memref_slice %arg7[%dma_start3A_202, %dma_start3A_203, %dma_start3A_204] : memref<2x256x64xf32, #tpu.memory_space<vmem>> -> memref<1x256x64xf32, #tpu.memory_space<vmem>>
        %dma_start3A_206 = tpu.memref_squeeze %dma_start3A_205 : memref<1x256x64xf32, #tpu.memory_space<vmem>> -> memref<256x64xf32, #tpu.memory_space<vmem>>
        %dma_start3A_207 = arith.constant 128 : i32
        %dma_start3A_208 = arith.constant 0 : i32
        %dma_start3A_209 = tpu.memref_slice %dma_start3A_206[%dma_start3A_207, %dma_start3A_208] : memref<256x64xf32, #tpu.memory_space<vmem>> -> memref<128x64xf32, #tpu.memory_space<vmem>>
        %dma_start3A_210 = arith.constant 0 : i32
        %dma_start3A_211 = arith.constant 0 : i32
        %dma_start3A_212 = tpu.memref_slice %arg6[%add3A_181, %dma_start3A_210, %dma_start3A_211] : memref<80x4x128xi32, #tpu.memory_space<vmem>> -> memref<1x4x128xi32, #tpu.memory_space<vmem>>
        %dma_start3A_213 = tpu.memref_squeeze %dma_start3A_212 : memref<1x4x128xi32, #tpu.memory_space<vmem>> -> memref<4x128xi32, #tpu.memory_space<vmem>>
        %dma_start3A_214 = arith.constant 0 : i32
        %dma_start3A_215 = tpu.memref_slice %dma_start3A_213[%dma_start3A_201, %dma_start3A_214] : memref<4x128xi32, #tpu.memory_space<vmem>> -> memref<1x128xi32, #tpu.memory_space<vmem>>
        %dma_start3A_216 = tpu.memref_squeeze %dma_start3A_215 : memref<1x128xi32, #tpu.memory_space<vmem>> -> memref<128xi32, #tpu.memory_space<vmem>>
        %dma_start3A_217 = arith.constant 0 : i32
        %dma_start3A_218 = arith.constant 0 : i32
        %dma_start3A_219 = tpu.memref_slice %arg3[%dma_start3A_217, %dma_start3A_218] : memref<10240x64xf32, #tpu.memory_space<hbm>> -> memref<10240x64xf32, #tpu.memory_space<hbm>>
        tpu.enqueue_indirect_dma source(%dma_start3A_219 : memref<10240x64xf32, #tpu.memory_space<hbm>>) target(%dma_start3A_209 : memref<128x64xf32, #tpu.memory_space<vmem>>) offsets(%dma_start3A_216 : memref<128xi32, #tpu.memory_space<vmem>>) semaphore(%arg10 : memref<!tpu.dma_semaphore, #tpu.memory_space<semaphore_mem>>)
      } else {
      }
      %dma_wait3A = arith.constant 0 : i32
      %dma_wait3A_86 = arith.constant 0 : i32
      %dma_wait3A_87 = arith.constant 0 : i32
      %dma_wait3A_88 = arith.constant 0 : i32
      %dma_wait3A_89 = tpu.memref_slice %arg7[%dma_wait3A_86, %dma_wait3A_87, %dma_wait3A_88] : memref<2x256x64xf32, #tpu.memory_space<vmem>> -> memref<1x256x64xf32, #tpu.memory_space<vmem>>
      %dma_wait3A_90 = tpu.memref_squeeze %dma_wait3A_89 : memref<1x256x64xf32, #tpu.memory_space<vmem>> -> memref<256x64xf32, #tpu.memory_space<vmem>>
      %dma_wait3A_91 = arith.constant 0 : i32
      %dma_wait3A_92 = arith.constant 0 : i32
      %dma_wait3A_93 = tpu.memref_slice %dma_wait3A_90[%dma_wait3A_91, %dma_wait3A_92] : memref<256x64xf32, #tpu.memory_space<vmem>> -> memref<128x64xf32, #tpu.memory_space<vmem>>
      %dma_wait3A_94 = arith.constant 0 : i32
      %dma_wait3A_95 = arith.constant 0 : i32
      %dma_wait3A_96 = tpu.memref_slice %arg6[%add3A_81, %dma_wait3A_94, %dma_wait3A_95] : memref<80x4x128xi32, #tpu.memory_space<vmem>> -> memref<1x4x128xi32, #tpu.memory_space<vmem>>
      %dma_wait3A_97 = tpu.memref_squeeze %dma_wait3A_96 : memref<1x4x128xi32, #tpu.memory_space<vmem>> -> memref<4x128xi32, #tpu.memory_space<vmem>>
      %dma_wait3A_98 = arith.constant 0 : i32
      %dma_wait3A_99 = tpu.memref_slice %dma_wait3A_97[%dma_wait3A, %dma_wait3A_98] : memref<4x128xi32, #tpu.memory_space<vmem>> -> memref<1x128xi32, #tpu.memory_space<vmem>>
      %dma_wait3A_100 = tpu.memref_squeeze %dma_wait3A_99 : memref<1x128xi32, #tpu.memory_space<vmem>> -> memref<128xi32, #tpu.memory_space<vmem>>
      %dma_wait3A_101 = arith.constant 0 : i32
      %dma_wait3A_102 = arith.constant 0 : i32
      %dma_wait3A_103 = tpu.memref_slice %arg3[%dma_wait3A_101, %dma_wait3A_102] : memref<10240x64xf32, #tpu.memory_space<hbm>> -> memref<10240x64xf32, #tpu.memory_space<hbm>>
      tpu.wait_indirect_dma semaphore(%arg9 : memref<!tpu.dma_semaphore, #tpu.memory_space<semaphore_mem>>) src(%dma_wait3A_103 : memref<10240x64xf32, #tpu.memory_space<hbm>>) dst(%dma_wait3A_93 : memref<128x64xf32, #tpu.memory_space<vmem>>)
      %dma_wait3A_104 = arith.constant 1 : i32
      %dma_wait3A_105 = arith.constant 0 : i32
      %dma_wait3A_106 = arith.constant 0 : i32
      %dma_wait3A_107 = arith.constant 0 : i32
      %dma_wait3A_108 = tpu.memref_slice %arg7[%dma_wait3A_105, %dma_wait3A_106, %dma_wait3A_107] : memref<2x256x64xf32, #tpu.memory_space<vmem>> -> memref<1x256x64xf32, #tpu.memory_space<vmem>>
      %dma_wait3A_109 = tpu.memref_squeeze %dma_wait3A_108 : memref<1x256x64xf32, #tpu.memory_space<vmem>> -> memref<256x64xf32, #tpu.memory_space<vmem>>
      %dma_wait3A_110 = arith.constant 128 : i32
      %dma_wait3A_111 = arith.constant 0 : i32
      %dma_wait3A_112 = tpu.memref_slice %dma_wait3A_109[%dma_wait3A_110, %dma_wait3A_111] : memref<256x64xf32, #tpu.memory_space<vmem>> -> memref<128x64xf32, #tpu.memory_space<vmem>>
      %dma_wait3A_113 = arith.constant 0 : i32
      %dma_wait3A_114 = arith.constant 0 : i32
      %dma_wait3A_115 = tpu.memref_slice %arg6[%add3A_81, %dma_wait3A_113, %dma_wait3A_114] : memref<80x4x128xi32, #tpu.memory_space<vmem>> -> memref<1x4x128xi32, #tpu.memory_space<vmem>>
      %dma_wait3A_116 = tpu.memref_squeeze %dma_wait3A_115 : memref<1x4x128xi32, #tpu.memory_space<vmem>> -> memref<4x128xi32, #tpu.memory_space<vmem>>
      %dma_wait3A_117 = arith.constant 0 : i32
      %dma_wait3A_118 = tpu.memref_slice %dma_wait3A_116[%dma_wait3A_104, %dma_wait3A_117] : memref<4x128xi32, #tpu.memory_space<vmem>> -> memref<1x128xi32, #tpu.memory_space<vmem>>
      %dma_wait3A_119 = tpu.memref_squeeze %dma_wait3A_118 : memref<1x128xi32, #tpu.memory_space<vmem>> -> memref<128xi32, #tpu.memory_space<vmem>>
      %dma_wait3A_120 = arith.constant 0 : i32
      %dma_wait3A_121 = arith.constant 0 : i32
      %dma_wait3A_122 = tpu.memref_slice %arg3[%dma_wait3A_120, %dma_wait3A_121] : memref<10240x64xf32, #tpu.memory_space<hbm>> -> memref<10240x64xf32, #tpu.memory_space<hbm>>
      tpu.wait_indirect_dma semaphore(%arg9 : memref<!tpu.dma_semaphore, #tpu.memory_space<semaphore_mem>>) src(%dma_wait3A_122 : memref<10240x64xf32, #tpu.memory_space<hbm>>) dst(%dma_wait3A_112 : memref<128x64xf32, #tpu.memory_space<vmem>>)
      %run_scoped3A_123 = arith.constant 0 : i32
      %run_scoped3A_124 = arith.constant 2 : i32
      "tpu.region"() ({
        %run_scoped3A_180 = tpu.sem_alloc : memref<!tpu.dma_semaphore, #tpu.memory_space<semaphore_mem>>
        %dma_start3A_181 = arith.constant 0 : i32
        %dma_start3A_182 = arith.constant 0 : i32
        %dma_start3A_183 = tpu.memref_slice %arg7[%run_scoped3A_123, %dma_start3A_181, %dma_start3A_182] : memref<2x256x64xf32, #tpu.memory_space<vmem>> -> memref<1x256x64xf32, #tpu.memory_space<vmem>>
        %dma_start3A_184 = tpu.memref_squeeze %dma_start3A_183 : memref<1x256x64xf32, #tpu.memory_space<vmem>> -> memref<256x64xf32, #tpu.memory_space<vmem>>
        %dma_start3A_185 = arith.constant 0 : i32
        %dma_start3A_186 = arith.constant 0 : i32
        %dma_start3A_187 = tpu.memref_slice %dma_start3A_184[%dma_start3A_185, %dma_start3A_186] : memref<256x64xf32, #tpu.memory_space<vmem>> -> memref<128x64xf32, #tpu.memory_space<vmem>>
        %dma_start3A_188 = arith.constant 0 : i32
        %dma_start3A_189 = arith.constant 0 : i32
        %dma_start3A_190 = tpu.memref_slice %arg6[%add3A_81, %dma_start3A_188, %dma_start3A_189] : memref<80x4x128xi32, #tpu.memory_space<vmem>> -> memref<1x4x128xi32, #tpu.memory_space<vmem>>
        %dma_start3A_191 = tpu.memref_squeeze %dma_start3A_190 : memref<1x4x128xi32, #tpu.memory_space<vmem>> -> memref<4x128xi32, #tpu.memory_space<vmem>>
        %dma_start3A_192 = arith.constant 0 : i32
        %dma_start3A_193 = tpu.memref_slice %dma_start3A_191[%run_scoped3A_124, %dma_start3A_192] : memref<4x128xi32, #tpu.memory_space<vmem>> -> memref<1x128xi32, #tpu.memory_space<vmem>>
        %dma_start3A_194 = tpu.memref_squeeze %dma_start3A_193 : memref<1x128xi32, #tpu.memory_space<vmem>> -> memref<128xi32, #tpu.memory_space<vmem>>
        %dma_start3A_195 = arith.constant 0 : i32
        %dma_start3A_196 = arith.constant 0 : i32
        %dma_start3A_197 = tpu.memref_slice %arg8[%dma_start3A_195, %dma_start3A_196] : memref<10240x64xf32, #tpu.memory_space<vmem_shared>> -> memref<10240x64xf32, #tpu.memory_space<vmem_shared>>
        tpu.enqueue_indirect_dma source(%dma_start3A_187 : memref<128x64xf32, #tpu.memory_space<vmem>>) target(%dma_start3A_197 : memref<10240x64xf32, #tpu.memory_space<vmem_shared>>) offsets(%dma_start3A_194 : memref<128xi32, #tpu.memory_space<vmem>>) semaphore(%run_scoped3A_180 : memref<!tpu.dma_semaphore, #tpu.memory_space<semaphore_mem>>) {add = true}
        %dma_wait3A_198 = arith.constant 0 : i32
        %dma_wait3A_199 = arith.constant 0 : i32
        %dma_wait3A_200 = tpu.memref_slice %arg7[%run_scoped3A_123, %dma_wait3A_198, %dma_wait3A_199] : memref<2x256x64xf32, #tpu.memory_space<vmem>> -> memref<1x256x64xf32, #tpu.memory_space<vmem>>
        %dma_wait3A_201 = tpu.memref_squeeze %dma_wait3A_200 : memref<1x256x64xf32, #tpu.memory_space<vmem>> -> memref<256x64xf32, #tpu.memory_space<vmem>>
        %dma_wait3A_202 = arith.constant 0 : i32
        %dma_wait3A_203 = arith.constant 0 : i32
        %dma_wait3A_204 = tpu.memref_slice %dma_wait3A_201[%dma_wait3A_202, %dma_wait3A_203] : memref<256x64xf32, #tpu.memory_space<vmem>> -> memref<128x64xf32, #tpu.memory_space<vmem>>
        %dma_wait3A_205 = arith.constant 0 : i32
        %dma_wait3A_206 = arith.constant 0 : i32
        %dma_wait3A_207 = tpu.memref_slice %arg6[%add3A_81, %dma_wait3A_205, %dma_wait3A_206] : memref<80x4x128xi32, #tpu.memory_space<vmem>> -> memref<1x4x128xi32, #tpu.memory_space<vmem>>
        %dma_wait3A_208 = tpu.memref_squeeze %dma_wait3A_207 : memref<1x4x128xi32, #tpu.memory_space<vmem>> -> memref<4x128xi32, #tpu.memory_space<vmem>>
        %dma_wait3A_209 = arith.constant 0 : i32
        %dma_wait3A_210 = tpu.memref_slice %dma_wait3A_208[%run_scoped3A_124, %dma_wait3A_209] : memref<4x128xi32, #tpu.memory_space<vmem>> -> memref<1x128xi32, #tpu.memory_space<vmem>>
        %dma_wait3A_211 = tpu.memref_squeeze %dma_wait3A_210 : memref<1x128xi32, #tpu.memory_space<vmem>> -> memref<128xi32, #tpu.memory_space<vmem>>
        %dma_wait3A_212 = arith.constant 0 : i32
        %dma_wait3A_213 = arith.constant 0 : i32
        %dma_wait3A_214 = tpu.memref_slice %arg8[%dma_wait3A_212, %dma_wait3A_213] : memref<10240x64xf32, #tpu.memory_space<vmem_shared>> -> memref<10240x64xf32, #tpu.memory_space<vmem_shared>>
        tpu.wait_indirect_dma semaphore(%run_scoped3A_180 : memref<!tpu.dma_semaphore, #tpu.memory_space<semaphore_mem>>) src(%dma_wait3A_204 : memref<128x64xf32, #tpu.memory_space<vmem>>) dst(%dma_wait3A_214 : memref<10240x64xf32, #tpu.memory_space<vmem_shared>>)
        tpu.yield
      }) : () -> ()
      %run_scoped3A_125 = arith.constant 0 : i32
      %run_scoped3A_126 = arith.constant 3 : i32
      "tpu.region"() ({
        %run_scoped3A_180 = tpu.sem_alloc : memref<!tpu.dma_semaphore, #tpu.memory_space<semaphore_mem>>
        %dma_start3A_181 = arith.constant 0 : i32
        %dma_start3A_182 = arith.constant 0 : i32
        %dma_start3A_183 = tpu.memref_slice %arg7[%run_scoped3A_125, %dma_start3A_181, %dma_start3A_182] : memref<2x256x64xf32, #tpu.memory_space<vmem>> -> memref<1x256x64xf32, #tpu.memory_space<vmem>>
        %dma_start3A_184 = tpu.memref_squeeze %dma_start3A_183 : memref<1x256x64xf32, #tpu.memory_space<vmem>> -> memref<256x64xf32, #tpu.memory_space<vmem>>
        %dma_start3A_185 = arith.constant 128 : i32
        %dma_start3A_186 = arith.constant 0 : i32
        %dma_start3A_187 = tpu.memref_slice %dma_start3A_184[%dma_start3A_185, %dma_start3A_186] : memref<256x64xf32, #tpu.memory_space<vmem>> -> memref<128x64xf32, #tpu.memory_space<vmem>>
        %dma_start3A_188 = arith.constant 0 : i32
        %dma_start3A_189 = arith.constant 0 : i32
        %dma_start3A_190 = tpu.memref_slice %arg6[%add3A_81, %dma_start3A_188, %dma_start3A_189] : memref<80x4x128xi32, #tpu.memory_space<vmem>> -> memref<1x4x128xi32, #tpu.memory_space<vmem>>
        %dma_start3A_191 = tpu.memref_squeeze %dma_start3A_190 : memref<1x4x128xi32, #tpu.memory_space<vmem>> -> memref<4x128xi32, #tpu.memory_space<vmem>>
        %dma_start3A_192 = arith.constant 0 : i32
        %dma_start3A_193 = tpu.memref_slice %dma_start3A_191[%run_scoped3A_126, %dma_start3A_192] : memref<4x128xi32, #tpu.memory_space<vmem>> -> memref<1x128xi32, #tpu.memory_space<vmem>>
        %dma_start3A_194 = tpu.memref_squeeze %dma_start3A_193 : memref<1x128xi32, #tpu.memory_space<vmem>> -> memref<128xi32, #tpu.memory_space<vmem>>
        %dma_start3A_195 = arith.constant 0 : i32
        %dma_start3A_196 = arith.constant 0 : i32
        %dma_start3A_197 = tpu.memref_slice %arg8[%dma_start3A_195, %dma_start3A_196] : memref<10240x64xf32, #tpu.memory_space<vmem_shared>> -> memref<10240x64xf32, #tpu.memory_space<vmem_shared>>
        tpu.enqueue_indirect_dma source(%dma_start3A_187 : memref<128x64xf32, #tpu.memory_space<vmem>>) target(%dma_start3A_197 : memref<10240x64xf32, #tpu.memory_space<vmem_shared>>) offsets(%dma_start3A_194 : memref<128xi32, #tpu.memory_space<vmem>>) semaphore(%run_scoped3A_180 : memref<!tpu.dma_semaphore, #tpu.memory_space<semaphore_mem>>) {add = true}
        %dma_wait3A_198 = arith.constant 0 : i32
        %dma_wait3A_199 = arith.constant 0 : i32
        %dma_wait3A_200 = tpu.memref_slice %arg7[%run_scoped3A_125, %dma_wait3A_198, %dma_wait3A_199] : memref<2x256x64xf32, #tpu.memory_space<vmem>> -> memref<1x256x64xf32, #tpu.memory_space<vmem>>
        %dma_wait3A_201 = tpu.memref_squeeze %dma_wait3A_200 : memref<1x256x64xf32, #tpu.memory_space<vmem>> -> memref<256x64xf32, #tpu.memory_space<vmem>>
        %dma_wait3A_202 = arith.constant 128 : i32
        %dma_wait3A_203 = arith.constant 0 : i32
        %dma_wait3A_204 = tpu.memref_slice %dma_wait3A_201[%dma_wait3A_202, %dma_wait3A_203] : memref<256x64xf32, #tpu.memory_space<vmem>> -> memref<128x64xf32, #tpu.memory_space<vmem>>
        %dma_wait3A_205 = arith.constant 0 : i32
        %dma_wait3A_206 = arith.constant 0 : i32
        %dma_wait3A_207 = tpu.memref_slice %arg6[%add3A_81, %dma_wait3A_205, %dma_wait3A_206] : memref<80x4x128xi32, #tpu.memory_space<vmem>> -> memref<1x4x128xi32, #tpu.memory_space<vmem>>
        %dma_wait3A_208 = tpu.memref_squeeze %dma_wait3A_207 : memref<1x4x128xi32, #tpu.memory_space<vmem>> -> memref<4x128xi32, #tpu.memory_space<vmem>>
        %dma_wait3A_209 = arith.constant 0 : i32
        %dma_wait3A_210 = tpu.memref_slice %dma_wait3A_208[%run_scoped3A_126, %dma_wait3A_209] : memref<4x128xi32, #tpu.memory_space<vmem>> -> memref<1x128xi32, #tpu.memory_space<vmem>>
        %dma_wait3A_211 = tpu.memref_squeeze %dma_wait3A_210 : memref<1x128xi32, #tpu.memory_space<vmem>> -> memref<128xi32, #tpu.memory_space<vmem>>
        %dma_wait3A_212 = arith.constant 0 : i32
        %dma_wait3A_213 = arith.constant 0 : i32
        %dma_wait3A_214 = tpu.memref_slice %arg8[%dma_wait3A_212, %dma_wait3A_213] : memref<10240x64xf32, #tpu.memory_space<vmem_shared>> -> memref<10240x64xf32, #tpu.memory_space<vmem_shared>>
        tpu.wait_indirect_dma semaphore(%run_scoped3A_180 : memref<!tpu.dma_semaphore, #tpu.memory_space<semaphore_mem>>) src(%dma_wait3A_204 : memref<128x64xf32, #tpu.memory_space<vmem>>) dst(%dma_wait3A_214 : memref<10240x64xf32, #tpu.memory_space<vmem_shared>>)
        tpu.yield
      }) : () -> ()
      %mul3A_127 = arith.constant 2 : i32
      %mul3A_128 = arith.muli %mul3A_127, %scan3A_77 : i32
      %add3A_129 = arith.constant 1 : i32
      %add3A_130 = arith.addi %mul3A_128, %add3A_129 : i32
      %add3A_131 = arith.constant 1 : i32
      %add3A_132 = arith.addi %add3A_130, %add3A_131 : i32
      %lt3A_133 = arith.constant 80 : i32
      %lt3A_134 = arith.cmpi slt, %add3A_132, %lt3A_133 : i32
      %convert_element_type3A_135 = arith.extui %lt3A_134 : i1 to i32
      %cond3A_136 = arith.constant 0 : i32
      %cond3A_137 = arith.cmpi ne, %convert_element_type3A_135, %cond3A_136 : i32
      scf.if %cond3A_137 {
        %add3A_180 = arith.constant 1 : i32
        %add3A_181 = arith.addi %add3A_130, %add3A_180 : i32
        %dma_start3A_182 = arith.constant 0 : i32
        %dma_start3A_183 = arith.constant 0 : i32
        %dma_start3A_184 = arith.constant 0 : i32
        %dma_start3A_185 = arith.constant 0 : i32
        %dma_start3A_186 = tpu.memref_slice %arg7[%dma_start3A_183, %dma_start3A_184, %dma_start3A_185] : memref<2x256x64xf32, #tpu.memory_space<vmem>> -> memref<1x256x64xf32, #tpu.memory_space<vmem>>
        %dma_start3A_187 = tpu.memref_squeeze %dma_start3A_186 : memref<1x256x64xf32, #tpu.memory_space<vmem>> -> memref<256x64xf32, #tpu.memory_space<vmem>>
        %dma_start3A_188 = arith.constant 0 : i32
        %dma_start3A_189 = arith.constant 0 : i32
        %dma_start3A_190 = tpu.memref_slice %dma_start3A_187[%dma_start3A_188, %dma_start3A_189] : memref<256x64xf32, #tpu.memory_space<vmem>> -> memref<128x64xf32, #tpu.memory_space<vmem>>
        %dma_start3A_191 = arith.constant 0 : i32
        %dma_start3A_192 = arith.constant 0 : i32
        %dma_start3A_193 = tpu.memref_slice %arg6[%add3A_181, %dma_start3A_191, %dma_start3A_192] : memref<80x4x128xi32, #tpu.memory_space<vmem>> -> memref<1x4x128xi32, #tpu.memory_space<vmem>>
        %dma_start3A_194 = tpu.memref_squeeze %dma_start3A_193 : memref<1x4x128xi32, #tpu.memory_space<vmem>> -> memref<4x128xi32, #tpu.memory_space<vmem>>
        %dma_start3A_195 = arith.constant 0 : i32
        %dma_start3A_196 = tpu.memref_slice %dma_start3A_194[%dma_start3A_182, %dma_start3A_195] : memref<4x128xi32, #tpu.memory_space<vmem>> -> memref<1x128xi32, #tpu.memory_space<vmem>>
        %dma_start3A_197 = tpu.memref_squeeze %dma_start3A_196 : memref<1x128xi32, #tpu.memory_space<vmem>> -> memref<128xi32, #tpu.memory_space<vmem>>
        %dma_start3A_198 = arith.constant 0 : i32
        %dma_start3A_199 = arith.constant 0 : i32
        %dma_start3A_200 = tpu.memref_slice %arg3[%dma_start3A_198, %dma_start3A_199] : memref<10240x64xf32, #tpu.memory_space<hbm>> -> memref<10240x64xf32, #tpu.memory_space<hbm>>
        tpu.enqueue_indirect_dma source(%dma_start3A_200 : memref<10240x64xf32, #tpu.memory_space<hbm>>) target(%dma_start3A_190 : memref<128x64xf32, #tpu.memory_space<vmem>>) offsets(%dma_start3A_197 : memref<128xi32, #tpu.memory_space<vmem>>) semaphore(%arg9 : memref<!tpu.dma_semaphore, #tpu.memory_space<semaphore_mem>>)
        %dma_start3A_201 = arith.constant 1 : i32
        %dma_start3A_202 = arith.constant 0 : i32
        %dma_start3A_203 = arith.constant 0 : i32
        %dma_start3A_204 = arith.constant 0 : i32
        %dma_start3A_205 = tpu.memref_slice %arg7[%dma_start3A_202, %dma_start3A_203, %dma_start3A_204] : memref<2x256x64xf32, #tpu.memory_space<vmem>> -> memref<1x256x64xf32, #tpu.memory_space<vmem>>
        %dma_start3A_206 = tpu.memref_squeeze %dma_start3A_205 : memref<1x256x64xf32, #tpu.memory_space<vmem>> -> memref<256x64xf32, #tpu.memory_space<vmem>>
        %dma_start3A_207 = arith.constant 128 : i32
        %dma_start3A_208 = arith.constant 0 : i32
        %dma_start3A_209 = tpu.memref_slice %dma_start3A_206[%dma_start3A_207, %dma_start3A_208] : memref<256x64xf32, #tpu.memory_space<vmem>> -> memref<128x64xf32, #tpu.memory_space<vmem>>
        %dma_start3A_210 = arith.constant 0 : i32
        %dma_start3A_211 = arith.constant 0 : i32
        %dma_start3A_212 = tpu.memref_slice %arg6[%add3A_181, %dma_start3A_210, %dma_start3A_211] : memref<80x4x128xi32, #tpu.memory_space<vmem>> -> memref<1x4x128xi32, #tpu.memory_space<vmem>>
        %dma_start3A_213 = tpu.memref_squeeze %dma_start3A_212 : memref<1x4x128xi32, #tpu.memory_space<vmem>> -> memref<4x128xi32, #tpu.memory_space<vmem>>
        %dma_start3A_214 = arith.constant 0 : i32
        %dma_start3A_215 = tpu.memref_slice %dma_start3A_213[%dma_start3A_201, %dma_start3A_214] : memref<4x128xi32, #tpu.memory_space<vmem>> -> memref<1x128xi32, #tpu.memory_space<vmem>>
        %dma_start3A_216 = tpu.memref_squeeze %dma_start3A_215 : memref<1x128xi32, #tpu.memory_space<vmem>> -> memref<128xi32, #tpu.memory_space<vmem>>
        %dma_start3A_217 = arith.constant 0 : i32
        %dma_start3A_218 = arith.constant 0 : i32
        %dma_start3A_219 = tpu.memref_slice %arg3[%dma_start3A_217, %dma_start3A_218] : memref<10240x64xf32, #tpu.memory_space<hbm>> -> memref<10240x64xf32, #tpu.memory_space<hbm>>
        tpu.enqueue_indirect_dma source(%dma_start3A_219 : memref<10240x64xf32, #tpu.memory_space<hbm>>) target(%dma_start3A_209 : memref<128x64xf32, #tpu.memory_space<vmem>>) offsets(%dma_start3A_216 : memref<128xi32, #tpu.memory_space<vmem>>) semaphore(%arg9 : memref<!tpu.dma_semaphore, #tpu.memory_space<semaphore_mem>>)
      } else {
      }
      %dma_wait3A_138 = arith.constant 0 : i32
      %dma_wait3A_139 = arith.constant 1 : i32
      %dma_wait3A_140 = arith.constant 0 : i32
      %dma_wait3A_141 = arith.constant 0 : i32
      %dma_wait3A_142 = tpu.memref_slice %arg7[%dma_wait3A_139, %dma_wait3A_140, %dma_wait3A_141] : memref<2x256x64xf32, #tpu.memory_space<vmem>> -> memref<1x256x64xf32, #tpu.memory_space<vmem>>
      %dma_wait3A_143 = tpu.memref_squeeze %dma_wait3A_142 : memref<1x256x64xf32, #tpu.memory_space<vmem>> -> memref<256x64xf32, #tpu.memory_space<vmem>>
      %dma_wait3A_144 = arith.constant 0 : i32
      %dma_wait3A_145 = arith.constant 0 : i32
      %dma_wait3A_146 = tpu.memref_slice %dma_wait3A_143[%dma_wait3A_144, %dma_wait3A_145] : memref<256x64xf32, #tpu.memory_space<vmem>> -> memref<128x64xf32, #tpu.memory_space<vmem>>
      %dma_wait3A_147 = arith.constant 0 : i32
      %dma_wait3A_148 = arith.constant 0 : i32
      %dma_wait3A_149 = tpu.memref_slice %arg6[%add3A_130, %dma_wait3A_147, %dma_wait3A_148] : memref<80x4x128xi32, #tpu.memory_space<vmem>> -> memref<1x4x128xi32, #tpu.memory_space<vmem>>
      %dma_wait3A_150 = tpu.memref_squeeze %dma_wait3A_149 : memref<1x4x128xi32, #tpu.memory_space<vmem>> -> memref<4x128xi32, #tpu.memory_space<vmem>>
      %dma_wait3A_151 = arith.constant 0 : i32
      %dma_wait3A_152 = tpu.memref_slice %dma_wait3A_150[%dma_wait3A_138, %dma_wait3A_151] : memref<4x128xi32, #tpu.memory_space<vmem>> -> memref<1x128xi32, #tpu.memory_space<vmem>>
      %dma_wait3A_153 = tpu.memref_squeeze %dma_wait3A_152 : memref<1x128xi32, #tpu.memory_space<vmem>> -> memref<128xi32, #tpu.memory_space<vmem>>
      %dma_wait3A_154 = arith.constant 0 : i32
      %dma_wait3A_155 = arith.constant 0 : i32
      %dma_wait3A_156 = tpu.memref_slice %arg3[%dma_wait3A_154, %dma_wait3A_155] : memref<10240x64xf32, #tpu.memory_space<hbm>> -> memref<10240x64xf32, #tpu.memory_space<hbm>>
      tpu.wait_indirect_dma semaphore(%arg10 : memref<!tpu.dma_semaphore, #tpu.memory_space<semaphore_mem>>) src(%dma_wait3A_156 : memref<10240x64xf32, #tpu.memory_space<hbm>>) dst(%dma_wait3A_146 : memref<128x64xf32, #tpu.memory_space<vmem>>)
      %dma_wait3A_157 = arith.constant 1 : i32
      %dma_wait3A_158 = arith.constant 1 : i32
      %dma_wait3A_159 = arith.constant 0 : i32
      %dma_wait3A_160 = arith.constant 0 : i32
      %dma_wait3A_161 = tpu.memref_slice %arg7[%dma_wait3A_158, %dma_wait3A_159, %dma_wait3A_160] : memref<2x256x64xf32, #tpu.memory_space<vmem>> -> memref<1x256x64xf32, #tpu.memory_space<vmem>>
      %dma_wait3A_162 = tpu.memref_squeeze %dma_wait3A_161 : memref<1x256x64xf32, #tpu.memory_space<vmem>> -> memref<256x64xf32, #tpu.memory_space<vmem>>
      %dma_wait3A_163 = arith.constant 128 : i32
      %dma_wait3A_164 = arith.constant 0 : i32
      %dma_wait3A_165 = tpu.memref_slice %dma_wait3A_162[%dma_wait3A_163, %dma_wait3A_164] : memref<256x64xf32, #tpu.memory_space<vmem>> -> memref<128x64xf32, #tpu.memory_space<vmem>>
      %dma_wait3A_166 = arith.constant 0 : i32
      %dma_wait3A_167 = arith.constant 0 : i32
      %dma_wait3A_168 = tpu.memref_slice %arg6[%add3A_130, %dma_wait3A_166, %dma_wait3A_167] : memref<80x4x128xi32, #tpu.memory_space<vmem>> -> memref<1x4x128xi32, #tpu.memory_space<vmem>>
      %dma_wait3A_169 = tpu.memref_squeeze %dma_wait3A_168 : memref<1x4x128xi32, #tpu.memory_space<vmem>> -> memref<4x128xi32, #tpu.memory_space<vmem>>
      %dma_wait3A_170 = arith.constant 0 : i32
      %dma_wait3A_171 = tpu.memref_slice %dma_wait3A_169[%dma_wait3A_157, %dma_wait3A_170] : memref<4x128xi32, #tpu.memory_space<vmem>> -> memref<1x128xi32, #tpu.memory_space<vmem>>
      %dma_wait3A_172 = tpu.memref_squeeze %dma_wait3A_171 : memref<1x128xi32, #tpu.memory_space<vmem>> -> memref<128xi32, #tpu.memory_space<vmem>>
      %dma_wait3A_173 = arith.constant 0 : i32
      %dma_wait3A_174 = arith.constant 0 : i32
      %dma_wait3A_175 = tpu.memref_slice %arg3[%dma_wait3A_173, %dma_wait3A_174] : memref<10240x64xf32, #tpu.memory_space<hbm>> -> memref<10240x64xf32, #tpu.memory_space<hbm>>
      tpu.wait_indirect_dma semaphore(%arg10 : memref<!tpu.dma_semaphore, #tpu.memory_space<semaphore_mem>>) src(%dma_wait3A_175 : memref<10240x64xf32, #tpu.memory_space<hbm>>) dst(%dma_wait3A_165 : memref<128x64xf32, #tpu.memory_space<vmem>>)
      %run_scoped3A_176 = arith.constant 1 : i32
      %run_scoped3A_177 = arith.constant 2 : i32
      "tpu.region"() ({
        %run_scoped3A_180 = tpu.sem_alloc : memref<!tpu.dma_semaphore, #tpu.memory_space<semaphore_mem>>
        %dma_start3A_181 = arith.constant 0 : i32
        %dma_start3A_182 = arith.constant 0 : i32
        %dma_start3A_183 = tpu.memref_slice %arg7[%run_scoped3A_176, %dma_start3A_181, %dma_start3A_182] : memref<2x256x64xf32, #tpu.memory_space<vmem>> -> memref<1x256x64xf32, #tpu.memory_space<vmem>>
        %dma_start3A_184 = tpu.memref_squeeze %dma_start3A_183 : memref<1x256x64xf32, #tpu.memory_space<vmem>> -> memref<256x64xf32, #tpu.memory_space<vmem>>
        %dma_start3A_185 = arith.constant 0 : i32
        %dma_start3A_186 = arith.constant 0 : i32
        %dma_start3A_187 = tpu.memref_slice %dma_start3A_184[%dma_start3A_185, %dma_start3A_186] : memref<256x64xf32, #tpu.memory_space<vmem>> -> memref<128x64xf32, #tpu.memory_space<vmem>>
        %dma_start3A_188 = arith.constant 0 : i32
        %dma_start3A_189 = arith.constant 0 : i32
        %dma_start3A_190 = tpu.memref_slice %arg6[%add3A_130, %dma_start3A_188, %dma_start3A_189] : memref<80x4x128xi32, #tpu.memory_space<vmem>> -> memref<1x4x128xi32, #tpu.memory_space<vmem>>
        %dma_start3A_191 = tpu.memref_squeeze %dma_start3A_190 : memref<1x4x128xi32, #tpu.memory_space<vmem>> -> memref<4x128xi32, #tpu.memory_space<vmem>>
        %dma_start3A_192 = arith.constant 0 : i32
        %dma_start3A_193 = tpu.memref_slice %dma_start3A_191[%run_scoped3A_177, %dma_start3A_192] : memref<4x128xi32, #tpu.memory_space<vmem>> -> memref<1x128xi32, #tpu.memory_space<vmem>>
        %dma_start3A_194 = tpu.memref_squeeze %dma_start3A_193 : memref<1x128xi32, #tpu.memory_space<vmem>> -> memref<128xi32, #tpu.memory_space<vmem>>
        %dma_start3A_195 = arith.constant 0 : i32
        %dma_start3A_196 = arith.constant 0 : i32
        %dma_start3A_197 = tpu.memref_slice %arg8[%dma_start3A_195, %dma_start3A_196] : memref<10240x64xf32, #tpu.memory_space<vmem_shared>> -> memref<10240x64xf32, #tpu.memory_space<vmem_shared>>
        tpu.enqueue_indirect_dma source(%dma_start3A_187 : memref<128x64xf32, #tpu.memory_space<vmem>>) target(%dma_start3A_197 : memref<10240x64xf32, #tpu.memory_space<vmem_shared>>) offsets(%dma_start3A_194 : memref<128xi32, #tpu.memory_space<vmem>>) semaphore(%run_scoped3A_180 : memref<!tpu.dma_semaphore, #tpu.memory_space<semaphore_mem>>) {add = true}
        %dma_wait3A_198 = arith.constant 0 : i32
        %dma_wait3A_199 = arith.constant 0 : i32
        %dma_wait3A_200 = tpu.memref_slice %arg7[%run_scoped3A_176, %dma_wait3A_198, %dma_wait3A_199] : memref<2x256x64xf32, #tpu.memory_space<vmem>> -> memref<1x256x64xf32, #tpu.memory_space<vmem>>
        %dma_wait3A_201 = tpu.memref_squeeze %dma_wait3A_200 : memref<1x256x64xf32, #tpu.memory_space<vmem>> -> memref<256x64xf32, #tpu.memory_space<vmem>>
        %dma_wait3A_202 = arith.constant 0 : i32
        %dma_wait3A_203 = arith.constant 0 : i32
        %dma_wait3A_204 = tpu.memref_slice %dma_wait3A_201[%dma_wait3A_202, %dma_wait3A_203] : memref<256x64xf32, #tpu.memory_space<vmem>> -> memref<128x64xf32, #tpu.memory_space<vmem>>
        %dma_wait3A_205 = arith.constant 0 : i32
        %dma_wait3A_206 = arith.constant 0 : i32
        %dma_wait3A_207 = tpu.memref_slice %arg6[%add3A_130, %dma_wait3A_205, %dma_wait3A_206] : memref<80x4x128xi32, #tpu.memory_space<vmem>> -> memref<1x4x128xi32, #tpu.memory_space<vmem>>
        %dma_wait3A_208 = tpu.memref_squeeze %dma_wait3A_207 : memref<1x4x128xi32, #tpu.memory_space<vmem>> -> memref<4x128xi32, #tpu.memory_space<vmem>>
        %dma_wait3A_209 = arith.constant 0 : i32
        %dma_wait3A_210 = tpu.memref_slice %dma_wait3A_208[%run_scoped3A_177, %dma_wait3A_209] : memref<4x128xi32, #tpu.memory_space<vmem>> -> memref<1x128xi32, #tpu.memory_space<vmem>>
        %dma_wait3A_211 = tpu.memref_squeeze %dma_wait3A_210 : memref<1x128xi32, #tpu.memory_space<vmem>> -> memref<128xi32, #tpu.memory_space<vmem>>
        %dma_wait3A_212 = arith.constant 0 : i32
        %dma_wait3A_213 = arith.constant 0 : i32
        %dma_wait3A_214 = tpu.memref_slice %arg8[%dma_wait3A_212, %dma_wait3A_213] : memref<10240x64xf32, #tpu.memory_space<vmem_shared>> -> memref<10240x64xf32, #tpu.memory_space<vmem_shared>>
        tpu.wait_indirect_dma semaphore(%run_scoped3A_180 : memref<!tpu.dma_semaphore, #tpu.memory_space<semaphore_mem>>) src(%dma_wait3A_204 : memref<128x64xf32, #tpu.memory_space<vmem>>) dst(%dma_wait3A_214 : memref<10240x64xf32, #tpu.memory_space<vmem_shared>>)
        tpu.yield
      }) : () -> ()
      %run_scoped3A_178 = arith.constant 1 : i32
      %run_scoped3A_179 = arith.constant 3 : i32
      "tpu.region"() ({
        %run_scoped3A_180 = tpu.sem_alloc : memref<!tpu.dma_semaphore, #tpu.memory_space<semaphore_mem>>
        %dma_start3A_181 = arith.constant 0 : i32
        %dma_start3A_182 = arith.constant 0 : i32
        %dma_start3A_183 = tpu.memref_slice %arg7[%run_scoped3A_178, %dma_start3A_181, %dma_start3A_182] : memref<2x256x64xf32, #tpu.memory_space<vmem>> -> memref<1x256x64xf32, #tpu.memory_space<vmem>>
        %dma_start3A_184 = tpu.memref_squeeze %dma_start3A_183 : memref<1x256x64xf32, #tpu.memory_space<vmem>> -> memref<256x64xf32, #tpu.memory_space<vmem>>
        %dma_start3A_185 = arith.constant 128 : i32
        %dma_start3A_186 = arith.constant 0 : i32
        %dma_start3A_187 = tpu.memref_slice %dma_start3A_184[%dma_start3A_185, %dma_start3A_186] : memref<256x64xf32, #tpu.memory_space<vmem>> -> memref<128x64xf32, #tpu.memory_space<vmem>>
        %dma_start3A_188 = arith.constant 0 : i32
        %dma_start3A_189 = arith.constant 0 : i32
        %dma_start3A_190 = tpu.memref_slice %arg6[%add3A_130, %dma_start3A_188, %dma_start3A_189] : memref<80x4x128xi32, #tpu.memory_space<vmem>> -> memref<1x4x128xi32, #tpu.memory_space<vmem>>
        %dma_start3A_191 = tpu.memref_squeeze %dma_start3A_190 : memref<1x4x128xi32, #tpu.memory_space<vmem>> -> memref<4x128xi32, #tpu.memory_space<vmem>>
        %dma_start3A_192 = arith.constant 0 : i32
        %dma_start3A_193 = tpu.memref_slice %dma_start3A_191[%run_scoped3A_179, %dma_start3A_192] : memref<4x128xi32, #tpu.memory_space<vmem>> -> memref<1x128xi32, #tpu.memory_space<vmem>>
        %dma_start3A_194 = tpu.memref_squeeze %dma_start3A_193 : memref<1x128xi32, #tpu.memory_space<vmem>> -> memref<128xi32, #tpu.memory_space<vmem>>
        %dma_start3A_195 = arith.constant 0 : i32
        %dma_start3A_196 = arith.constant 0 : i32
        %dma_start3A_197 = tpu.memref_slice %arg8[%dma_start3A_195, %dma_start3A_196] : memref<10240x64xf32, #tpu.memory_space<vmem_shared>> -> memref<10240x64xf32, #tpu.memory_space<vmem_shared>>
        tpu.enqueue_indirect_dma source(%dma_start3A_187 : memref<128x64xf32, #tpu.memory_space<vmem>>) target(%dma_start3A_197 : memref<10240x64xf32, #tpu.memory_space<vmem_shared>>) offsets(%dma_start3A_194 : memref<128xi32, #tpu.memory_space<vmem>>) semaphore(%run_scoped3A_180 : memref<!tpu.dma_semaphore, #tpu.memory_space<semaphore_mem>>) {add = true}
        %dma_wait3A_198 = arith.constant 0 : i32
        %dma_wait3A_199 = arith.constant 0 : i32
        %dma_wait3A_200 = tpu.memref_slice %arg7[%run_scoped3A_178, %dma_wait3A_198, %dma_wait3A_199] : memref<2x256x64xf32, #tpu.memory_space<vmem>> -> memref<1x256x64xf32, #tpu.memory_space<vmem>>
        %dma_wait3A_201 = tpu.memref_squeeze %dma_wait3A_200 : memref<1x256x64xf32, #tpu.memory_space<vmem>> -> memref<256x64xf32, #tpu.memory_space<vmem>>
        %dma_wait3A_202 = arith.constant 128 : i32
        %dma_wait3A_203 = arith.constant 0 : i32
        %dma_wait3A_204 = tpu.memref_slice %dma_wait3A_201[%dma_wait3A_202, %dma_wait3A_203] : memref<256x64xf32, #tpu.memory_space<vmem>> -> memref<128x64xf32, #tpu.memory_space<vmem>>
        %dma_wait3A_205 = arith.constant 0 : i32
        %dma_wait3A_206 = arith.constant 0 : i32
        %dma_wait3A_207 = tpu.memref_slice %arg6[%add3A_130, %dma_wait3A_205, %dma_wait3A_206] : memref<80x4x128xi32, #tpu.memory_space<vmem>> -> memref<1x4x128xi32, #tpu.memory_space<vmem>>
        %dma_wait3A_208 = tpu.memref_squeeze %dma_wait3A_207 : memref<1x4x128xi32, #tpu.memory_space<vmem>> -> memref<4x128xi32, #tpu.memory_space<vmem>>
        %dma_wait3A_209 = arith.constant 0 : i32
        %dma_wait3A_210 = tpu.memref_slice %dma_wait3A_208[%run_scoped3A_179, %dma_wait3A_209] : memref<4x128xi32, #tpu.memory_space<vmem>> -> memref<1x128xi32, #tpu.memory_space<vmem>>
        %dma_wait3A_211 = tpu.memref_squeeze %dma_wait3A_210 : memref<1x128xi32, #tpu.memory_space<vmem>> -> memref<128xi32, #tpu.memory_space<vmem>>
        %dma_wait3A_212 = arith.constant 0 : i32
        %dma_wait3A_213 = arith.constant 0 : i32
        %dma_wait3A_214 = tpu.memref_slice %arg8[%dma_wait3A_212, %dma_wait3A_213] : memref<10240x64xf32, #tpu.memory_space<vmem_shared>> -> memref<10240x64xf32, #tpu.memory_space<vmem_shared>>
        tpu.wait_indirect_dma semaphore(%run_scoped3A_180 : memref<!tpu.dma_semaphore, #tpu.memory_space<semaphore_mem>>) src(%dma_wait3A_204 : memref<128x64xf32, #tpu.memory_space<vmem>>) dst(%dma_wait3A_214 : memref<10240x64xf32, #tpu.memory_space<vmem_shared>>)
        tpu.yield
      }) : () -> ()
    }
    %scan3A_71 = arith.constant 40 : i32
    %barrier3A_72 = arith.constant 0 : index
    tpu.barrier barrier_id(%barrier3A_72)
    %mul3A_73 = arith.constant 640 : i32
    %mul3A_74 = arith.muli %arg1, %mul3A_73 : i32
    %mul3A_75 = arith.constant 640 : i32
    %mul3A_76 = arith.muli %arg1, %mul3A_75 : i32
    "tpu.region"() ({
      %run_scoped3A_77 = tpu.sem_alloc : memref<!tpu.dma_semaphore, #tpu.memory_space<semaphore_mem>>
      %dma_start3A_78 = arith.constant 0 : i32
      %dma_start3A_79 = arith.constant 0 : i32
      %dma_start3A_80 = tpu.memref_slice %arg5[%arg0, %dma_start3A_78, %dma_start3A_79] : memref<2x10240x64xf32, #tpu.memory_space<hbm>> -> memref<1x10240x64xf32, #tpu.memory_space<hbm>>
      %dma_start3A_81 = tpu.memref_squeeze %dma_start3A_80 : memref<1x10240x64xf32, #tpu.memory_space<hbm>> -> memref<10240x64xf32, #tpu.memory_space<hbm>>
      %dma_start3A_82 = arith.constant 0 : i32
      %dma_start3A_83 = tpu.memref_slice %dma_start3A_81[%mul3A_76, %dma_start3A_82] : memref<10240x64xf32, #tpu.memory_space<hbm>> -> memref<640x64xf32, #tpu.memory_space<hbm>>
      %dma_start3A_84 = arith.constant 0 : i32
      %dma_start3A_85 = tpu.memref_slice %arg8[%mul3A_74, %dma_start3A_84] : memref<10240x64xf32, #tpu.memory_space<vmem_shared>> -> memref<640x64xf32, #tpu.memory_space<vmem_shared>>
      tpu.enqueue_dma source(%dma_start3A_85 : memref<640x64xf32, #tpu.memory_space<vmem_shared>>) target(%dma_start3A_83 : memref<640x64xf32, #tpu.memory_space<hbm>>) target_semaphore(%run_scoped3A_77 : memref<!tpu.dma_semaphore, #tpu.memory_space<semaphore_mem>>)
      %dma_wait3A = arith.constant 0 : i32
      %dma_wait3A_86 = arith.constant 0 : i32
      %dma_wait3A_87 = tpu.memref_slice %arg5[%arg0, %dma_wait3A, %dma_wait3A_86] : memref<2x10240x64xf32, #tpu.memory_space<hbm>> -> memref<1x10240x64xf32, #tpu.memory_space<hbm>>
      %dma_wait3A_88 = tpu.memref_squeeze %dma_wait3A_87 : memref<1x10240x64xf32, #tpu.memory_space<hbm>> -> memref<10240x64xf32, #tpu.memory_space<hbm>>
      %dma_wait3A_89 = arith.constant 0 : i32
      %dma_wait3A_90 = tpu.memref_slice %dma_wait3A_88[%mul3A_76, %dma_wait3A_89] : memref<10240x64xf32, #tpu.memory_space<hbm>> -> memref<640x64xf32, #tpu.memory_space<hbm>>
      %dma_wait3A_91 = arith.constant 0 : i32
      %dma_wait3A_92 = tpu.memref_slice %arg8[%mul3A_74, %dma_wait3A_91] : memref<10240x64xf32, #tpu.memory_space<vmem_shared>> -> memref<640x64xf32, #tpu.memory_space<vmem_shared>>
      tpu.wait_dma2 semaphore(%run_scoped3A_77 : memref<!tpu.dma_semaphore, #tpu.memory_space<semaphore_mem>>) src(%dma_wait3A_92 : memref<640x64xf32, #tpu.memory_space<vmem_shared>>) dst(%dma_wait3A_90 : memref<640x64xf32, #tpu.memory_space<hbm>>)
      tpu.yield
    }) : () -> ()
    return
  }
}

#map = affine_map<(d0, d1) -> (0, 0)>
#map1 = affine_map<(d0, d1) -> (0, 0, 0)>
module attributes {stable_mosaic.version = 14 : i64} {
  func.func @_deg_body(%arg0: i32, %arg1: i32, %arg2: memref<5120x128xi32, #tpu.memory_space<hbm>>, %arg3: memref<128x16xf32, #tpu.memory_space<hbm>>, %arg4: memref<640x16xf32, #tpu.memory_space<hbm>>, %arg5: memref<2x10240x16xf32, #tpu.memory_space<hbm>>, %arg6: memref<2x128xi32, #tpu.memory_space<vmem>>, %arg7: memref<128x16xf32, #tpu.memory_space<vmem>>, %arg8: memref<640x16xf32, #tpu.memory_space<vmem>>, %arg9: memref<10240x16xf32, #tpu.memory_space<vmem_shared>>) attributes {dimension_semantics = [#tpu.dimension_semantics<core_parallel>, #tpu.dimension_semantics<subcore_parallel>], iteration_bounds = array<i64: 2, 16>, scalar_prefetch = 0 : i64, scratch_operands = 4 : i64, tpu.core_type = #tpu.core_type<sc_vector_subcore>, window_params = [{transform_indices = #map}, {transform_indices = #map}, {transform_indices = #map}, {transform_indices = #map1}]} {
    %mul3A = arith.constant 2 : i32
    %mul3A_0 = arith.muli %arg1, %mul3A : i32
    %add3A = arith.addi %mul3A_0, %arg0 : i32
    %mul3A_1 = arith.constant 80 : i32
    %mul3A_2 = arith.muli %add3A, %mul3A_1 : i32
    %mul3A_3 = arith.constant 2 : i32
    %mul3A_4 = arith.muli %mul3A_2, %mul3A_3 : i32
    "tpu.region"() ({
      %run_scoped3A = tpu.sem_alloc : memref<!tpu.dma_semaphore, #tpu.memory_space<semaphore_mem>>
      tpu.enqueue_dma source(%arg3 : memref<128x16xf32, #tpu.memory_space<hbm>>) target(%arg7 : memref<128x16xf32, #tpu.memory_space<vmem>>) target_semaphore(%run_scoped3A : memref<!tpu.dma_semaphore, #tpu.memory_space<semaphore_mem>>)
      tpu.wait_dma2 semaphore(%run_scoped3A : memref<!tpu.dma_semaphore, #tpu.memory_space<semaphore_mem>>) src(%arg3 : memref<128x16xf32, #tpu.memory_space<hbm>>) dst(%arg7 : memref<128x16xf32, #tpu.memory_space<vmem>>)
      tpu.yield
    }) : () -> ()
    "tpu.region"() ({
      %run_scoped3A = tpu.sem_alloc : memref<!tpu.dma_semaphore, #tpu.memory_space<semaphore_mem>>
      tpu.enqueue_dma source(%arg4 : memref<640x16xf32, #tpu.memory_space<hbm>>) target(%arg8 : memref<640x16xf32, #tpu.memory_space<vmem>>) target_semaphore(%run_scoped3A : memref<!tpu.dma_semaphore, #tpu.memory_space<semaphore_mem>>)
      tpu.wait_dma2 semaphore(%run_scoped3A : memref<!tpu.dma_semaphore, #tpu.memory_space<semaphore_mem>>) src(%arg4 : memref<640x16xf32, #tpu.memory_space<hbm>>) dst(%arg8 : memref<640x16xf32, #tpu.memory_space<vmem>>)
      tpu.yield
    }) : () -> ()
    %mul3A_5 = arith.constant 640 : i32
    %mul3A_6 = arith.muli %arg1, %mul3A_5 : i32
    "tpu.region"() ({
      %run_scoped3A = tpu.sem_alloc : memref<!tpu.dma_semaphore, #tpu.memory_space<semaphore_mem>>
      %dma_start3A = arith.constant 0 : i32
      %dma_start3A_17 = tpu.memref_slice %arg9[%mul3A_6, %dma_start3A] : memref<10240x16xf32, #tpu.memory_space<vmem_shared>> -> memref<640x16xf32, #tpu.memory_space<vmem_shared>>
      %dma_start3A_18 = arith.constant 0 : i32
      %dma_start3A_19 = tpu.memref_slice %arg9[%mul3A_6, %dma_start3A_18] : memref<10240x16xf32, #tpu.memory_space<vmem_shared>> -> memref<640x16xf32, #tpu.memory_space<vmem_shared>>
      tpu.enqueue_dma source(%arg8 : memref<640x16xf32, #tpu.memory_space<vmem>>) target(%dma_start3A_19 : memref<640x16xf32, #tpu.memory_space<vmem_shared>>) target_semaphore(%run_scoped3A : memref<!tpu.dma_semaphore, #tpu.memory_space<semaphore_mem>>)
      %dma_wait3A = arith.constant 0 : i32
      %dma_wait3A_20 = tpu.memref_slice %arg9[%mul3A_6, %dma_wait3A] : memref<10240x16xf32, #tpu.memory_space<vmem_shared>> -> memref<640x16xf32, #tpu.memory_space<vmem_shared>>
      %dma_wait3A_21 = arith.constant 0 : i32
      %dma_wait3A_22 = tpu.memref_slice %arg9[%mul3A_6, %dma_wait3A_21] : memref<10240x16xf32, #tpu.memory_space<vmem_shared>> -> memref<640x16xf32, #tpu.memory_space<vmem_shared>>
      tpu.wait_dma2 semaphore(%run_scoped3A : memref<!tpu.dma_semaphore, #tpu.memory_space<semaphore_mem>>) src(%arg8 : memref<640x16xf32, #tpu.memory_space<vmem>>) dst(%dma_wait3A_22 : memref<640x16xf32, #tpu.memory_space<vmem_shared>>)
      tpu.yield
    }) : () -> ()
    %barrier3A = arith.constant 0 : index
    tpu.barrier barrier_id(%barrier3A)
    %scan3A = arith.constant 0 : i32
    %scan3A_7 = arith.constant 0 : i32
    %scan3A_8 = arith.constant 80 : i32
    %scan3A_9 = arith.addi %scan3A_7, %scan3A_8 : i32
    %scan3A_10 = arith.constant 1 : i32
    scf.for %scan3A_17 = %scan3A_7 to %scan3A_9 step %scan3A_10  : i32 {
      %mul3A_18 = arith.constant 2 : i32
      %mul3A_19 = arith.muli %scan3A_17, %mul3A_18 : i32
      %add3A_20 = arith.addi %mul3A_4, %mul3A_19 : i32
      "tpu.region"() ({
        %run_scoped3A_22 = tpu.sem_alloc : memref<!tpu.dma_semaphore, #tpu.memory_space<semaphore_mem>>
        %dma_start3A = arith.constant 0 : i32
        %dma_start3A_23 = tpu.memref_slice %arg2[%add3A_20, %dma_start3A] : memref<5120x128xi32, #tpu.memory_space<hbm>> -> memref<2x128xi32, #tpu.memory_space<hbm>>
        %dma_start3A_24 = arith.constant 0 : i32
        %dma_start3A_25 = tpu.memref_slice %arg2[%add3A_20, %dma_start3A_24] : memref<5120x128xi32, #tpu.memory_space<hbm>> -> memref<2x128xi32, #tpu.memory_space<hbm>>
        tpu.enqueue_dma source(%dma_start3A_25 : memref<2x128xi32, #tpu.memory_space<hbm>>) target(%arg6 : memref<2x128xi32, #tpu.memory_space<vmem>>) target_semaphore(%run_scoped3A_22 : memref<!tpu.dma_semaphore, #tpu.memory_space<semaphore_mem>>)
        %dma_wait3A = arith.constant 0 : i32
        %dma_wait3A_26 = tpu.memref_slice %arg2[%add3A_20, %dma_wait3A] : memref<5120x128xi32, #tpu.memory_space<hbm>> -> memref<2x128xi32, #tpu.memory_space<hbm>>
        %dma_wait3A_27 = arith.constant 0 : i32
        %dma_wait3A_28 = tpu.memref_slice %arg2[%add3A_20, %dma_wait3A_27] : memref<5120x128xi32, #tpu.memory_space<hbm>> -> memref<2x128xi32, #tpu.memory_space<hbm>>
        tpu.wait_dma2 semaphore(%run_scoped3A_22 : memref<!tpu.dma_semaphore, #tpu.memory_space<semaphore_mem>>) src(%dma_wait3A_28 : memref<2x128xi32, #tpu.memory_space<hbm>>) dst(%arg6 : memref<2x128xi32, #tpu.memory_space<vmem>>)
        tpu.yield
      }) : () -> ()
      %run_scoped3A = arith.constant 0 : i32
      "tpu.region"() ({
        %run_scoped3A_22 = tpu.sem_alloc : memref<!tpu.dma_semaphore, #tpu.memory_space<semaphore_mem>>
        %dma_start3A = arith.constant 0 : i32
        %dma_start3A_23 = tpu.memref_slice %arg6[%run_scoped3A, %dma_start3A] : memref<2x128xi32, #tpu.memory_space<vmem>> -> memref<1x128xi32, #tpu.memory_space<vmem>>
        %dma_start3A_24 = tpu.memref_squeeze %dma_start3A_23 : memref<1x128xi32, #tpu.memory_space<vmem>> -> memref<128xi32, #tpu.memory_space<vmem>>
        %dma_start3A_25 = arith.constant 0 : i32
        %dma_start3A_26 = arith.constant 0 : i32
        %dma_start3A_27 = tpu.memref_slice %arg9[%dma_start3A_25, %dma_start3A_26] : memref<10240x16xf32, #tpu.memory_space<vmem_shared>> -> memref<10240x16xf32, #tpu.memory_space<vmem_shared>>
        tpu.enqueue_indirect_dma source(%arg7 : memref<128x16xf32, #tpu.memory_space<vmem>>) target(%dma_start3A_27 : memref<10240x16xf32, #tpu.memory_space<vmem_shared>>) offsets(%dma_start3A_24 : memref<128xi32, #tpu.memory_space<vmem>>) semaphore(%run_scoped3A_22 : memref<!tpu.dma_semaphore, #tpu.memory_space<semaphore_mem>>) {add = true}
        %dma_wait3A = arith.constant 0 : i32
        %dma_wait3A_28 = tpu.memref_slice %arg6[%run_scoped3A, %dma_wait3A] : memref<2x128xi32, #tpu.memory_space<vmem>> -> memref<1x128xi32, #tpu.memory_space<vmem>>
        %dma_wait3A_29 = tpu.memref_squeeze %dma_wait3A_28 : memref<1x128xi32, #tpu.memory_space<vmem>> -> memref<128xi32, #tpu.memory_space<vmem>>
        %dma_wait3A_30 = arith.constant 0 : i32
        %dma_wait3A_31 = arith.constant 0 : i32
        %dma_wait3A_32 = tpu.memref_slice %arg9[%dma_wait3A_30, %dma_wait3A_31] : memref<10240x16xf32, #tpu.memory_space<vmem_shared>> -> memref<10240x16xf32, #tpu.memory_space<vmem_shared>>
        tpu.wait_indirect_dma semaphore(%run_scoped3A_22 : memref<!tpu.dma_semaphore, #tpu.memory_space<semaphore_mem>>) src(%arg7 : memref<128x16xf32, #tpu.memory_space<vmem>>) dst(%dma_wait3A_32 : memref<10240x16xf32, #tpu.memory_space<vmem_shared>>)
        tpu.yield
      }) : () -> ()
      %run_scoped3A_21 = arith.constant 1 : i32
      "tpu.region"() ({
        %run_scoped3A_22 = tpu.sem_alloc : memref<!tpu.dma_semaphore, #tpu.memory_space<semaphore_mem>>
        %dma_start3A = arith.constant 0 : i32
        %dma_start3A_23 = tpu.memref_slice %arg6[%run_scoped3A_21, %dma_start3A] : memref<2x128xi32, #tpu.memory_space<vmem>> -> memref<1x128xi32, #tpu.memory_space<vmem>>
        %dma_start3A_24 = tpu.memref_squeeze %dma_start3A_23 : memref<1x128xi32, #tpu.memory_space<vmem>> -> memref<128xi32, #tpu.memory_space<vmem>>
        %dma_start3A_25 = arith.constant 0 : i32
        %dma_start3A_26 = arith.constant 0 : i32
        %dma_start3A_27 = tpu.memref_slice %arg9[%dma_start3A_25, %dma_start3A_26] : memref<10240x16xf32, #tpu.memory_space<vmem_shared>> -> memref<10240x16xf32, #tpu.memory_space<vmem_shared>>
        tpu.enqueue_indirect_dma source(%arg7 : memref<128x16xf32, #tpu.memory_space<vmem>>) target(%dma_start3A_27 : memref<10240x16xf32, #tpu.memory_space<vmem_shared>>) offsets(%dma_start3A_24 : memref<128xi32, #tpu.memory_space<vmem>>) semaphore(%run_scoped3A_22 : memref<!tpu.dma_semaphore, #tpu.memory_space<semaphore_mem>>) {add = true}
        %dma_wait3A = arith.constant 0 : i32
        %dma_wait3A_28 = tpu.memref_slice %arg6[%run_scoped3A_21, %dma_wait3A] : memref<2x128xi32, #tpu.memory_space<vmem>> -> memref<1x128xi32, #tpu.memory_space<vmem>>
        %dma_wait3A_29 = tpu.memref_squeeze %dma_wait3A_28 : memref<1x128xi32, #tpu.memory_space<vmem>> -> memref<128xi32, #tpu.memory_space<vmem>>
        %dma_wait3A_30 = arith.constant 0 : i32
        %dma_wait3A_31 = arith.constant 0 : i32
        %dma_wait3A_32 = tpu.memref_slice %arg9[%dma_wait3A_30, %dma_wait3A_31] : memref<10240x16xf32, #tpu.memory_space<vmem_shared>> -> memref<10240x16xf32, #tpu.memory_space<vmem_shared>>
        tpu.wait_indirect_dma semaphore(%run_scoped3A_22 : memref<!tpu.dma_semaphore, #tpu.memory_space<semaphore_mem>>) src(%arg7 : memref<128x16xf32, #tpu.memory_space<vmem>>) dst(%dma_wait3A_32 : memref<10240x16xf32, #tpu.memory_space<vmem_shared>>)
        tpu.yield
      }) : () -> ()
    }
    %scan3A_11 = arith.constant 80 : i32
    %barrier3A_12 = arith.constant 0 : index
    tpu.barrier barrier_id(%barrier3A_12)
    %mul3A_13 = arith.constant 640 : i32
    %mul3A_14 = arith.muli %arg1, %mul3A_13 : i32
    %mul3A_15 = arith.constant 640 : i32
    %mul3A_16 = arith.muli %arg1, %mul3A_15 : i32
    "tpu.region"() ({
      %run_scoped3A = tpu.sem_alloc : memref<!tpu.dma_semaphore, #tpu.memory_space<semaphore_mem>>
      %dma_start3A = arith.constant 0 : i32
      %dma_start3A_17 = arith.constant 0 : i32
      %dma_start3A_18 = tpu.memref_slice %arg5[%arg0, %dma_start3A, %dma_start3A_17] : memref<2x10240x16xf32, #tpu.memory_space<hbm>> -> memref<1x10240x16xf32, #tpu.memory_space<hbm>>
      %dma_start3A_19 = tpu.memref_squeeze %dma_start3A_18 : memref<1x10240x16xf32, #tpu.memory_space<hbm>> -> memref<10240x16xf32, #tpu.memory_space<hbm>>
      %dma_start3A_20 = arith.constant 0 : i32
      %dma_start3A_21 = tpu.memref_slice %dma_start3A_19[%mul3A_16, %dma_start3A_20] : memref<10240x16xf32, #tpu.memory_space<hbm>> -> memref<640x16xf32, #tpu.memory_space<hbm>>
      %dma_start3A_22 = arith.constant 0 : i32
      %dma_start3A_23 = tpu.memref_slice %arg9[%mul3A_14, %dma_start3A_22] : memref<10240x16xf32, #tpu.memory_space<vmem_shared>> -> memref<640x16xf32, #tpu.memory_space<vmem_shared>>
      tpu.enqueue_dma source(%dma_start3A_23 : memref<640x16xf32, #tpu.memory_space<vmem_shared>>) target(%dma_start3A_21 : memref<640x16xf32, #tpu.memory_space<hbm>>) target_semaphore(%run_scoped3A : memref<!tpu.dma_semaphore, #tpu.memory_space<semaphore_mem>>)
      %dma_wait3A = arith.constant 0 : i32
      %dma_wait3A_24 = arith.constant 0 : i32
      %dma_wait3A_25 = tpu.memref_slice %arg5[%arg0, %dma_wait3A, %dma_wait3A_24] : memref<2x10240x16xf32, #tpu.memory_space<hbm>> -> memref<1x10240x16xf32, #tpu.memory_space<hbm>>
      %dma_wait3A_26 = tpu.memref_squeeze %dma_wait3A_25 : memref<1x10240x16xf32, #tpu.memory_space<hbm>> -> memref<10240x16xf32, #tpu.memory_space<hbm>>
      %dma_wait3A_27 = arith.constant 0 : i32
      %dma_wait3A_28 = tpu.memref_slice %dma_wait3A_26[%mul3A_16, %dma_wait3A_27] : memref<10240x16xf32, #tpu.memory_space<hbm>> -> memref<640x16xf32, #tpu.memory_space<hbm>>
      %dma_wait3A_29 = arith.constant 0 : i32
      %dma_wait3A_30 = tpu.memref_slice %arg9[%mul3A_14, %dma_wait3A_29] : memref<10240x16xf32, #tpu.memory_space<vmem_shared>> -> memref<640x16xf32, #tpu.memory_space<vmem_shared>>
      tpu.wait_dma2 semaphore(%run_scoped3A : memref<!tpu.dma_semaphore, #tpu.memory_space<semaphore_mem>>) src(%dma_wait3A_30 : memref<640x16xf32, #tpu.memory_space<vmem_shared>>) dst(%dma_wait3A_28 : memref<640x16xf32, #tpu.memory_space<hbm>>)
      tpu.yield
    }) : () -> ()
    return
  }
}

module attributes {stable_mosaic.version = 14 : i64} {
  func.func @_prep_body(%arg0: i32, %arg1: memref<1024x64xf32, #tpu.memory_space<vmem>>, %arg2: memref<64x64xf32, #tpu.memory_space<vmem>>, %arg3: memref<2x1024x16xf32, #tpu.memory_space<vmem>>, %arg4: memref<1024x64xf32, #tpu.memory_space<vmem>>, %arg5: memref<1024x64xf32, #tpu.memory_space<vmem>>) attributes {dimension_semantics = [#tpu.dimension_semantics<arbitrary>], iteration_bounds = array<i64: 10>, scalar_prefetch = 0 : i64, scratch_operands = 0 : i64, tpu.core_type = #tpu.core_type<tc>, window_params = [{transform_indices = @transform_0, window_bounds = array<i64: 1024, 64>}, {pipeline_mode = #tpu.pipeline_mode<synchronous>, transform_indices = @transform_1, window_bounds = array<i64: 64, 64>}, {transform_indices = @transform_2, window_bounds = array<i64: 2, 1024, 16>}, {transform_indices = @transform_3, window_bounds = array<i64: 1024, 64>}, {transform_indices = @transform_4, window_bounds = array<i64: 1024, 64>}]} {
    %get3A = arith.constant 0 : index
    %get3A_0 = arith.constant 0 : index
    %get3A_1 = vector.load %arg1[%get3A, %get3A_0] : memref<1024x64xf32, #tpu.memory_space<vmem>>, vector<1024x64xf32>
    %get3A_2 = arith.constant 0 : index
    %get3A_3 = arith.constant 0 : index
    %get3A_4 = vector.load %arg2[%get3A_2, %get3A_3] : memref<64x64xf32, #tpu.memory_space<vmem>>, vector<64x64xf32>
    %dot_general3A = arith.constant dense<0.000000e+00> : vector<1024x64xf32>
    %dot_general3A_5 = tpu.matmul %get3A_1, %get3A_4, %dot_general3A {dimension_numbers = #tpu.dot_dimension_numbers<[1], [0], [0], [1], [0, 0, 1, 1], [], []>, transpose_lhs_hint = false} : vector<1024x64xf32>, vector<64x64xf32>, vector<1024x64xf32> -> vector<1024x64xf32>
    %get3A_6 = arith.constant 0 : index
    %get3A_7 = arith.constant 0 : index
    %get3A_8 = arith.constant 0 : index
    %get3A_9 = vector.load %arg3[%get3A_6, %get3A_7, %get3A_8] : memref<2x1024x16xf32, #tpu.memory_space<vmem>>, vector<1x1024x1xf32>
    %get3A_10 = vector.shape_cast %get3A_9 : vector<1x1024x1xf32> to vector<1024x1xf32>
    %get3A_11 = arith.constant 1 : index
    %get3A_12 = arith.constant 0 : index
    %get3A_13 = arith.constant 0 : index
    %get3A_14 = vector.load %arg3[%get3A_11, %get3A_12, %get3A_13] : memref<2x1024x16xf32, #tpu.memory_space<vmem>>, vector<1x1024x1xf32>
    %get3A_15 = vector.shape_cast %get3A_14 : vector<1x1024x1xf32> to vector<1024x1xf32>
    %add3A = arith.addf %get3A_10, %get3A_15 : vector<1024x1xf32>
    %add3A_16 = arith.constant 1.000000e+00 : f32
    %add3A_17 = vector.broadcast %add3A_16 : f32 to vector<1024x1xf32>
    %add3A_18 = arith.addf %add3A, %add3A_17 : vector<1024x1xf32>
    %rsqrt3A = math.rsqrt %add3A_18 : vector<1024x1xf32>
    %mul3A = vector.broadcast %rsqrt3A : vector<1024x1xf32> to vector<1024x64xf32>
    %mul3A_19 = arith.mulf %dot_general3A_5, %mul3A : vector<1024x64xf32>
    %swap3A = arith.constant 0 : index
    %swap3A_20 = arith.constant 0 : index
    %swap3A_21 = vector.load %arg4[%swap3A, %swap3A_20] : memref<1024x64xf32, #tpu.memory_space<vmem>>, vector<1024x64xf32>
    tpu.vector_store %arg4[%swap3A, %swap3A_20], %mul3A_19 {strides = array<i32>} : memref<1024x64xf32, #tpu.memory_space<vmem>>, vector<1024x64xf32>,
    %broadcast_in_dim3A = vector.shape_cast %rsqrt3A : vector<1024x1xf32> to vector<1024x1xf32>
    %broadcast_in_dim3A_22 = vector.broadcast %broadcast_in_dim3A : vector<1024x1xf32> to vector<1024x64xf32>
    %swap3A_23 = arith.constant 0 : index
    %swap3A_24 = arith.constant 0 : index
    %swap3A_25 = vector.load %arg5[%swap3A_23, %swap3A_24] : memref<1024x64xf32, #tpu.memory_space<vmem>>, vector<1024x64xf32>
    tpu.vector_store %arg5[%swap3A_23, %swap3A_24], %broadcast_in_dim3A_22 {strides = array<i32>} : memref<1024x64xf32, #tpu.memory_space<vmem>>, vector<1024x64xf32>,
    return
  }
  func.func @transform_0(%arg0: i32) -> (i32, i32) {
    %c0_i32 = arith.constant 0 : i32
    %c0_i32_0 = arith.constant 0 : i32
    return %arg0, %c0_i32 : i32, i32
  }
  func.func @transform_1(%arg0: i32) -> (i32, i32) {
    %c0_i32 = arith.constant 0 : i32
    %c0_i32_0 = arith.constant 0 : i32
    %c0_i32_1 = arith.constant 0 : i32
    return %c0_i32, %c0_i32_0 : i32, i32
  }
  func.func @transform_2(%arg0: i32) -> (i32, i32, i32) {
    %c0_i32 = arith.constant 0 : i32
    %c0_i32_0 = arith.constant 0 : i32
    %c0_i32_1 = arith.constant 0 : i32
    return %c0_i32, %arg0, %c0_i32_0 : i32, i32, i32
  }
  func.func @transform_3(%arg0: i32) -> (i32, i32) {
    %c0_i32 = arith.constant 0 : i32
    %c0_i32_0 = arith.constant 0 : i32
    return %arg0, %c0_i32 : i32, i32
  }
  func.func @transform_4(%arg0: i32) -> (i32, i32) {
    %c0_i32 = arith.constant 0 : i32
    %c0_i32_0 = arith.constant 0 : i32
    return %arg0, %c0_i32 : i32, i32
  }
}

module attributes {stable_mosaic.version = 14 : i64} {
  func.func @_mm_body(%arg0: i32, %arg1: i32, %arg2: memref<1024x64xf32, #tpu.memory_space<vmem>>, %arg3: memref<1024x64xf32, #tpu.memory_space<vmem>>, %arg4: memref<1024x1024xf32, #tpu.memory_space<vmem>>) attributes {dimension_semantics = [#tpu.dimension_semantics<arbitrary>, #tpu.dimension_semantics<arbitrary>], iteration_bounds = array<i64: 10, 10>, scalar_prefetch = 0 : i64, scratch_operands = 0 : i64, tpu.core_type = #tpu.core_type<tc>, window_params = [{transform_indices = @transform_0, window_bounds = array<i64: 1024, 64>}, {transform_indices = @transform_1, window_bounds = array<i64: 1024, 64>}, {transform_indices = @transform_2, window_bounds = array<i64: 1024, 1024>}]} {
    %get3A = arith.constant 0 : index
    %get3A_0 = arith.constant 0 : index
    %get3A_1 = vector.load %arg2[%get3A, %get3A_0] : memref<1024x64xf32, #tpu.memory_space<vmem>>, vector<1024x64xf32>
    %get3A_2 = arith.constant 0 : index
    %get3A_3 = arith.constant 0 : index
    %get3A_4 = vector.load %arg3[%get3A_2, %get3A_3] : memref<1024x64xf32, #tpu.memory_space<vmem>>, vector<1024x64xf32>
    %dot_general3A = arith.constant dense<0.000000e+00> : vector<1024x1024xf32>
    %dot_general3A_5 = tpu.matmul %get3A_1, %get3A_4, %dot_general3A {dimension_numbers = #tpu.dot_dimension_numbers<[1], [1], [0], [0], [0, 0, 1, 0], [], []>, transpose_lhs_hint = false} : vector<1024x64xf32>, vector<1024x64xf32>, vector<1024x1024xf32> -> vector<1024x1024xf32>
    %swap3A = arith.constant 0 : index
    %swap3A_6 = arith.constant 0 : index
    %swap3A_7 = vector.load %arg4[%swap3A, %swap3A_6] : memref<1024x1024xf32, #tpu.memory_space<vmem>>, vector<1024x1024xf32>
    tpu.vector_store %arg4[%swap3A, %swap3A_6], %dot_general3A_5 {strides = array<i32>} : memref<1024x1024xf32, #tpu.memory_space<vmem>>, vector<1024x1024xf32>,
    return
  }
  func.func @transform_0(%arg0: i32, %arg1: i32) -> (i32, i32) {
    %c0_i32 = arith.constant 0 : i32
    %c0_i32_0 = arith.constant 0 : i32
    return %arg0, %c0_i32 : i32, i32
  }
  func.func @transform_1(%arg0: i32, %arg1: i32) -> (i32, i32) {
    %c0_i32 = arith.constant 0 : i32
    %c0_i32_0 = arith.constant 0 : i32
    return %arg1, %c0_i32 : i32, i32
  }
  func.func @transform_2(%arg0: i32, %arg1: i32) -> (i32, i32) {
    %c0_i32 = arith.constant 0 : i32
    return %arg0, %arg1 : i32, i32
  }
}

module attributes {stable_mosaic.version = 14 : i64} {
  func.func @_h_body(%arg0: i32, %arg1: memref<2x1024x64xf32, #tpu.memory_space<vmem>>, %arg2: memref<1024x64xf32, #tpu.memory_space<vmem>>, %arg3: memref<1024x64xf32, #tpu.memory_space<vmem>>, %arg4: memref<1x64xf32, #tpu.memory_space<vmem>>, %arg5: memref<1024x64xf32, #tpu.memory_space<vmem>>) attributes {dimension_semantics = [#tpu.dimension_semantics<arbitrary>], iteration_bounds = array<i64: 10>, scalar_prefetch = 0 : i64, scratch_operands = 0 : i64, tpu.core_type = #tpu.core_type<tc>, window_params = [{transform_indices = @transform_0, window_bounds = array<i64: 2, 1024, 64>}, {transform_indices = @transform_1, window_bounds = array<i64: 1024, 64>}, {transform_indices = @transform_2, window_bounds = array<i64: 1024, 64>}, {pipeline_mode = #tpu.pipeline_mode<synchronous>, transform_indices = @transform_3, window_bounds = array<i64: 1, 64>}, {transform_indices = @transform_4, window_bounds = array<i64: 1024, 64>}]} {
    %get3A = arith.constant 0 : index
    %get3A_0 = arith.constant 0 : index
    %get3A_1 = arith.constant 0 : index
    %get3A_2 = vector.load %arg1[%get3A, %get3A_0, %get3A_1] : memref<2x1024x64xf32, #tpu.memory_space<vmem>>, vector<1x1024x64xf32>
    %get3A_3 = vector.shape_cast %get3A_2 : vector<1x1024x64xf32> to vector<1024x64xf32>
    %get3A_4 = arith.constant 1 : index
    %get3A_5 = arith.constant 0 : index
    %get3A_6 = arith.constant 0 : index
    %get3A_7 = vector.load %arg1[%get3A_4, %get3A_5, %get3A_6] : memref<2x1024x64xf32, #tpu.memory_space<vmem>>, vector<1x1024x64xf32>
    %get3A_8 = vector.shape_cast %get3A_7 : vector<1x1024x64xf32> to vector<1024x64xf32>
    %add3A = arith.addf %get3A_3, %get3A_8 : vector<1024x64xf32>
    %get3A_9 = arith.constant 0 : index
    %get3A_10 = arith.constant 0 : index
    %get3A_11 = vector.load %arg2[%get3A_9, %get3A_10] : memref<1024x64xf32, #tpu.memory_space<vmem>>, vector<1024x64xf32>
    %add3A_12 = arith.addf %add3A, %get3A_11 : vector<1024x64xf32>
    %get3A_13 = arith.constant 0 : index
    %get3A_14 = arith.constant 0 : index
    %get3A_15 = vector.load %arg3[%get3A_13, %get3A_14] : memref<1024x64xf32, #tpu.memory_space<vmem>>, vector<1024x64xf32>
    %mul3A = arith.mulf %add3A_12, %get3A_15 : vector<1024x64xf32>
    %get3A_16 = arith.constant 0 : index
    %get3A_17 = arith.constant 0 : index
    %get3A_18 = vector.load %arg4[%get3A_16, %get3A_17] : memref<1x64xf32, #tpu.memory_space<vmem>>, vector<1x64xf32>
    %add3A_19 = vector.broadcast %get3A_18 : vector<1x64xf32> to vector<1024x64xf32>
    %add3A_20 = arith.addf %mul3A, %add3A_19 : vector<1024x64xf32>
    %max3A = arith.constant 0.000000e+00 : f32
    %max3A_21 = vector.broadcast %max3A : f32 to vector<1024x64xf32>
    %max3A_22 = arith.maximumf %add3A_20, %max3A_21 : vector<1024x64xf32>
    %swap3A = arith.constant 0 : index
    %swap3A_23 = arith.constant 0 : index
    %swap3A_24 = vector.load %arg5[%swap3A, %swap3A_23] : memref<1024x64xf32, #tpu.memory_space<vmem>>, vector<1024x64xf32>
    tpu.vector_store %arg5[%swap3A, %swap3A_23], %max3A_22 {strides = array<i32>} : memref<1024x64xf32, #tpu.memory_space<vmem>>, vector<1024x64xf32>,
    return
  }
  func.func @transform_0(%arg0: i32) -> (i32, i32, i32) {
    %c0_i32 = arith.constant 0 : i32
    %c0_i32_0 = arith.constant 0 : i32
    %c0_i32_1 = arith.constant 0 : i32
    return %c0_i32, %arg0, %c0_i32_0 : i32, i32, i32
  }
  func.func @transform_1(%arg0: i32) -> (i32, i32) {
    %c0_i32 = arith.constant 0 : i32
    %c0_i32_0 = arith.constant 0 : i32
    return %arg0, %c0_i32 : i32, i32
  }
  func.func @transform_2(%arg0: i32) -> (i32, i32) {
    %c0_i32 = arith.constant 0 : i32
    %c0_i32_0 = arith.constant 0 : i32
    return %arg0, %c0_i32 : i32, i32
  }
  func.func @transform_3(%arg0: i32) -> (i32, i32) {
    %c0_i32 = arith.constant 0 : i32
    %c0_i32_0 = arith.constant 0 : i32
    %c0_i32_1 = arith.constant 0 : i32
    return %c0_i32, %c0_i32_0 : i32, i32
  }
  func.func @transform_4(%arg0: i32) -> (i32, i32) {
    %c0_i32 = arith.constant 0 : i32
    %c0_i32_0 = arith.constant 0 : i32
    return %arg0, %c0_i32 : i32, i32
  }
}

</mosaic_0001>

<sc_bundles>
// kernel: kernel.10.cloned.1.call-start
scs
__scs_entry_jumppad:
0x0: {  	(pc) =	sbr.rel $0x88, $3  }
0x1: {  	(tag) =	ssettag $0x0;
	lr =	simm.s32 $0x1  }
0x2: {  	[smem:$0x3F9D] =	sst lr;
	_ =	strace $0xD0000000  }
0x3: {  	_ = 	snop  }
0x4: {  	_ = 	snop  }
0x5: {  	_ = 	snop  }
0x6: {  	_ = 	snop  }
0x7: {  	_ = 	snop  }
__scs_overlays_trampoline_lowered:
0x8: {  	[smem:$0x3FAC] =	sst s0  }
0x9: {  	[smem:$0x3FAD] =	sst s1  }
0xa: {  	[smem:$0x3FAE] =	sst s2  }
0xb: {  	[smem:$0x3FAF] =	sst s3  }
0xc: {  	[smem:$0x3FB0] =	sst s4  }
0xd: {  	[smem:$0x3FB1] =	sst s5  }
0xe: {  	[smem:$0x3FB2] =	sst s6  }
0xf: {  	[smem:$0x3FB3] =	sst s7  }
0x10: {  	[smem:$0x3FB4] =	sst s8  }
0x11: {  	[smem:$0x3FB5] =	sst s9;
	s0 =	simm.s32 @!p0 $0x0  }
0x12: {  	s1 =	sld [smem:$0x3F9B];
	s0 =	simm.s32 @p0 $0x1  }
0x13: {  	[smem:$0x3FB6] =	sst s0;
	s0 =	simm.s32 @!p1 $0x0  }
0x14: {  	s2 =	sld [smem:$0x3F9A];
	s0 =	simm.s32 @p1 $0x1  }
0x15: {  	[smem:$0x3FB7] =	sst s0;
	s0 =	simm.s32 @!p2 $0x0  }
0x16: {  	s3 =	sld [smem:$0x3FDB];
	s0 =	simm.s32 @p2 $0x1  }
0x17: {  	s4 =	simm.s32 $0x1BF5;
	[smem:$0x3FB9] =	sst s0  }
0x18: {  	s0 =	sld [smem:$0x3F9C];
	_ =	swait.ge [sflag:s4], $0x0  }
0x19: {  	s7 =	sld [smem:$0x3F9D]  }
0x1a: {  	s8 =	sadd.s32 $0xFFFFE003, lr  }
0x1b: {  	s9 =	sadd.s32 $0xFFFFFEF7, lr;
	s5 =	simm.s32 $0xFFFFFFFF;
	p2 =	slt.u32 s8, $0xFFFFF086  }
0x1c: {  	p1 =	slt.u32 s9, $0xF7A;
	s5 =	simm.s32 @!p2 $0x0  }
0x1d: {  	s5 =	simm.s32 @p1 $0x1;
	p0 =	seq.s32 s7, s2  }
0x1e: {  	s7 =	smul.u32 @!p0 $0xF7A, s2;
	p2 =	seq.s32 @!p0 s5, $0x0  }
0x1f: {  	s9 =	smul.u32 $0xF7A, s1;
	s8 =	simm.s32 @!p0 $0x1BF5;
	p2 =	por !p2, p0  }
0x20: {  	[sflag:s8] =	ssyncset.s32 @!p0 $0xFFFFF086;
	s6 =	sadd.s32 @!p0 s3, s7;
	s7 =	simm.s32 @!p0 $0x108  }
0x21: {  	s3 =	sadd.s32 s3, s9;
	s6 =	sadd.s32 @!p0 $0x88, s6;
	s7 =	simm.s32 @p2 $0x1082  }
0x22: {  	[simem:s7], [sflag:s8] =	dma.local @!p0 [hbm:s6], $0xF7A  }
0x23: {  	s9 =	sor.u32 $0xD0000000, s2;
	s6 =	simm.s32 $0x108;
	_ =	swait.ge @!p0 [sflag:s8], $0x0  }
0x24: {  	s3 =	sadd.s32 $0x88, s3;
	s6 =	simm.s32 @!p1 $0x1082;
	[sflag:s4] =	ssyncset.s32 $0xFFFFF086  }
0x25: {  	[simem:s6], [sflag:s4] =	dma.local [hbm:s3], $0xF7A  }
0x26: {  	[smem:$0x3F9D] =	sst s1;
	(tag) =	ssettag s2;
	_ =	strace s9  }
0x27: {  	s1 =	sld [smem:$0x3FAD]  }
0x28: {  	s2 =	sld [smem:$0x3FAE]  }
0x29: {  	s4 =	sld [smem:$0x3FB0]  }
0x2a: {  	p0 =	seq.s32 s5, $0x0;
	s5 =	sld [smem:$0x3FB1]  }
0x2b: {  	s6 =	sld [smem:$0x3FB2]  }
0x2c: {  	s7 =	sld [smem:$0x3FB3]  }
0x2d: {  	s3 =	simm.s32 $0x108;
	s8 =	sld [smem:$0x3FB4]  }
0x2e: {  	s3 =	simm.s32 @!p0 $0x1082;
	s9 =	sld [smem:$0x3FB5]  }
0x2f: {  	lr =	sadd.s32 s0, s3;
	s0 =	sld [smem:$0x3FAC]  }
0x30: {  	s3 =	sld [smem:$0x3FAF]  }
0x31: {  	[smem:$0x3FB8] =	sst s10  }
0x32: {  	s10 =	sld [smem:$0x3FB6];
	_ =	sdelay $0x3  }
0x33: {  	p0 =	seq.s32 s10, $0x1;
	s10 =	sld [smem:$0x3FB8];
	_ =	sdelay $0x3  }
0x34: {  	[smem:$0x3FB8] =	sst s10  }
0x35: {  	s10 =	sld [smem:$0x3FB7];
	_ =	sdelay $0x3  }
0x36: {  	p1 =	seq.s32 s10, $0x1;
	s10 =	sld [smem:$0x3FB8];
	_ =	sdelay $0x3  }
0x37: {  	[smem:$0x3FB8] =	sst s10  }
0x38: {  	s10 =	sld [smem:$0x3FB9]  }
0x39: {  	_ = 	snop;
	(pc) =	sbr.ind lr, $3  }
0x3a: {  	_ = 	snop  }
0x3b: {  	_ = 	snop  }
0x3c: {  	p2 =	seq.s32 s10, $0x1;
	s10 =	sld [smem:$0x3FB8]  }
0x3d: {  	_ =	shalt  }
0x3e: {  	_ =	shalt  }
0x3f: {  	_ =	shalt  }
0x40: {  	_ =	shalt  }
0x41: {  	_ =	shalt  }
0x42: {  	_ =	shalt  }
0x43: {  	_ =	shalt  }
0x44: {  	_ =	shalt  }
0x45: {  	_ =	shalt  }
0x46: {  	_ =	shalt  }
0x47: {  	_ =	shalt  }
0x48: {  	_ =	shalt  }
0x49: {  	_ =	shalt  }
0x4a: {  	_ =	shalt  }
0x4b: {  	_ =	shalt  }
0x4c: {  	_ =	shalt  }
0x4d: {  	_ =	shalt  }
0x4e: {  	_ =	shalt  }
0x4f: {  	_ =	shalt  }
0x50: {  	_ =	shalt  }
0x51: {  	_ =	shalt  }
0x52: {  	_ =	shalt  }
0x53: {  	_ =	shalt  }
0x54: {  	_ =	shalt  }
0x55: {  	_ =	shalt  }
0x56: {  	_ =	shalt  }
0x57: {  	_ =	shalt  }
0x58: {  	_ =	shalt  }
0x59: {  	_ =	shalt  }
0x5a: {  	_ =	shalt  }
0x5b: {  	_ =	shalt  }
0x5c: {  	_ =	shalt  }
0x5d: {  	_ =	shalt  }
0x5e: {  	_ =	shalt  }
0x5f: {  	_ =	shalt  }
0x60: {  	_ =	shalt  }
0x61: {  	_ =	shalt  }
0x62: {  	_ =	shalt  }
0x63: {  	_ =	shalt  }
0x64: {  	_ =	shalt  }
0x65: {  	_ =	shalt  }
0x66: {  	_ =	shalt  }
0x67: {  	_ =	shalt  }
0x68: {  	_ =	shalt  }
0x69: {  	_ =	shalt  }
0x6a: {  	_ =	shalt  }
0x6b: {  	_ =	shalt  }
0x6c: {  	_ =	shalt  }
0x6d: {  	_ =	shalt  }
0x6e: {  	_ =	shalt  }
0x6f: {  	_ =	shalt  }
0x70: {  	_ =	shalt  }
0x71: {  	_ =	shalt  }
0x72: {  	_ =	shalt  }
0x73: {  	_ =	shalt  }
0x74: {  	_ =	shalt  }
0x75: {  	_ =	shalt  }
0x76: {  	_ =	shalt  }
0x77: {  	_ =	shalt  }
0x78: {  	_ =	shalt  }
0x79: {  	_ =	shalt  }
0x7a: {  	_ =	shalt  }
0x7b: {  	_ =	shalt  }
0x7c: {  	_ =	shalt  }
0x7d: {  	_ =	shalt  }
0x7e: {  	_ =	shalt  }
0x7f: {  	_ =	shalt  }
0x80: {  	_ =	shalt  }
0x81: {  	_ =	shalt  }
0x82: {  	_ =	shalt  }
0x83: {  	_ =	shalt  }
0x84: {  	_ =	shalt  }
0x85: {  	_ =	shalt  }
0x86: {  	_ =	shalt  }
0x87: {  	_ =	shalt  }
.Lfunc_end0:
.L_simem_size_0:
called_computation.1_lowered:
.L_overlay_start_0:
0x88: {  	s2 =	sld [smem:$0x3FD9]  }
0x89: {  	s3 =	sld [smem:$0x3FFE];
	_ =	sdelay $0x1  }
0x8a: {  	s1 =	srdreg.scid  }
0x8b: {  	s0 =	sand.u32 $0x1, s1  }
0x8c: {  	s17 =	sshll.u32 s0, $0xA;
	s2 =	sadd.s32 s3, s2  }
0x8d: {  	s2 =	sadd.s32 s2, s17  }
0x8e: {  	[smem:$0x3FC4] =	sst s2  }
0x8f: {  	_ = 	snop  }
0x90: {  	s2 =	sld [smem:$0x3FD0];
	(tm) =	ssettm $0x1  }
0x91: {  	s18 =	sld [smem:$0x3FFB];
	_ =	sdelay $0x3  }
0x92: {  	_ =	strace s18  }
0x93: {  	s3 =	sld [smem:$0x3FFC];
	_ =	sdelay $0x3  }
0x94: {  	_ =	strace s3  }
0x95: {  	s3 =	sld [smem:$0x3FFD];
	_ =	sdelay $0x3  }
0x96: {  	_ =	strace s3  }
0x97: {  	_ =	strace $0x8FFFFFFF  }
0x98: {  	s19 =	sld [smem:$0x3FDB];
	_ =	sdelay $0x1  }
0x99: {  	s4 =	simm.s32 $_scs_section_size  }
0x9a: {  	s5 =	simm.s32 $_size__tile_overlayer_lowered;
	s6 =	simm.s32 $_tile_overlayer_lowered  }
0x9b: {  	s22 =	simm.s32 $0x1BFF;
	s21 =	sshll.u32 s6, $0x1;
	s3 =	sadd.s32 s4, s19  }
0x9c: {  	s7 =	simm.s32 $0x0;
	s20 =	sshll.u32 s5, $0x1;
	s5 =	sadd.s32 s21, s3  }
0x9d: {  	[timem:s7], [sflag:s22] =	dma.local [hbm:s5], s20  }
0x9e: {  	_ =	swait.ge [sflag:s22], s20  }
0x9f: {  	s4 =	ssub.s32 $0x0, s20;
	[sflag:s22] =	ssyncset.done $0x0  }
0xa0: {  	[sflag:s22] =	ssyncadd.s32 s4;
	_ =	sdelay $0x1  }
0xa1: {  	s23 =	simm.s32 $0x1B8B  }
0xa2: {  	_ =	swait.ge [sflag:s23], $0x1  }
0xa3: {  	[sflag:s23] =	ssyncset.done $0x0  }
0xa4: {  	s25 =	simm.s32 $0x1B8E;
	s24 =	sld [smem:$0x3FFE];
	[sflag:s23] =	ssyncadd.s32 $0xFFFFFFFF  }
0xa5: {  	s26 =	simm.s32 $execute0_lowered;
	[smem:$0x3FD2] =	sst s25  }
0xa6: {  	s5 =	sshll.u32 s26, $0x1;
	_ =	strace $0x80000049;
	[dreg:$0x1] =	wrdreg $0xFFFFFFFF  }
0xa7: {  	s28 =	simm.s32 $_size_execute0_lowered;
	s3 =	sadd.s32 s3, s5;
	[dreg:$0x0] =	wrdreg $0x0  }
0xa8: {  	s5 =	sshll.u32 s28, $0x1;
	[dreg:$0x2] =	wrdreg s3  }
0xa9: {  	[dreg:$0x3] =	wrdreg s5  }
0xaa: {  	[dreg:$0x4] =	wrdreg $0xC0  }
0xab: {  	_ =	task [dreg:s7], $0x5FFFF  }
0xac: {  	[dreg:$0x1] =	wrdreg $0xFFFFFFFF  }
0xad: {  	[dreg:$0x0] =	wrdreg $0x60  }
0xae: {  	[dreg:$0x2] =	wrdreg s24  }
0xaf: {  	[dreg:$0x3] =	wrdreg s2  }
0xb0: {  	[dreg:$0x4] =	wrdreg $0x120000  }
0xb1: {  	[dreg:$0x5] =	wrdreg $0x9  }
0xb2: {  	_ =	task.clear_ibuf [dreg:s7], $0x6FFFF;
	_ =	strace $0x90000049  }
0xb3: {  	s29 =	simm.s32 $0x9;
	_ =	strace $0x8000004B  }
0xb4: {  	_ =	swait.ge [sflag:s29], $0x1  }
0xb5: {  	[sflag:s29] =	ssyncadd.s32 $0xFFFFFFFF  }
0xb6: {  	_ =	strace $0x9000004B  }
0xb7: {  	_ =	sfence  }
0xb8: {  	s30 =	sld [smem:$0x0];
	_ =	sdelay $0x2  }
0xb9: {  	s31 =	sshll.u32 s1, $0xD;
	s1 =	sshrl.u32 s1, $0x2  }
0xba: {  	s3 =	sand.u32 $0x4000, s31;
	s1 =	sadd.s32 s1, s30  }
0xbb: {  	s0 =	sor.u32 s3, s0;
	s1 =	sshll.u32 s1, $0x11  }
0xbc: {  	s0 =	sor.u32 s1, s0  }
0xbd: {  	s0 =	sadd.s32 $0x8F2B, s0  }
0xbe: {  	[sflag:s0] =	ssyncadd.remote.s32 $0x1  }
0xbf: {  	_ =	sfence.sel $0xFFFF  }
0xc0: {  	[dreg:$0x0] =	wrdreg $0xFFFFFFFF;
	(pc) =	sbr.abs _section_cstart, $3  }
0xc1: {  	[dreg:$0x1] =	wrdreg $0xFFFFFFFF  }
0xc2: {  	_ =	task.clear_ibuf [dreg:s7], $0x2FFFF;
	_ =	strace $0x9FFFFFFF  }
0xc3: {  	(tm) =	ssettm $0x7FFFFFFF  }
tec
execute0_lowered:
.L_overlay_start_1:
0x0: {  	(tag) =	ssettag $0x1  }
0x1: {  	s0 =	rddreg [dreg:$0x0]  }
0x2: {  	s1 =	srdreg.scid;
	s2 =	rddreg [dreg:$0x1]  }
0x3: {  	s8 =	stileid.u32;
	s3 =	rddreg [dreg:$0x2]  }
0x4: {  	s13 =	simm.s32 $0xA000;
	s14 =	simm.s32 $0x3;
	s15 =	simm.s32 $0x80  }
0x5: {  	s16 =	simm.s32 $0xC000;
	s17 =	simm.s32 $0xE000;
	s18 =	simm.s32 $0x10000  }
0x6: {  	s19 =	simm.s32 $0x1;
	s20 =	simm.s32 $0x2;
	s22 =	simm.s32 $0x9E80  }
0x7: {  	s23 =	simm.s32 $0x9D00;
	s25 =	simm.s32 $0x9D80;
	s26 =	simm.s32 $0x9F00  }
0x8: {  	s28 =	simm.s32 $0x9F80;
	s29 =	simm.s32 $0x0;
	s7 =	smul.u32 $0x28000, s8  }
0x9: {  	s1 =	sand.u32 $0x1, s1;
	s4 =	sshll.u32 s8, $0x1;
	s12 =	smul.u32 $0xA000, s8  }
0xa: {  	s5 =	sor.u32 s1, s4;
	s4 =	simm.s32 $0x0;
	s6 =	smul.u32 $0x14000, s1  }
0xb: {  	s1 =	ssub.s32 $0x2, s1;
	s5 =	smul.u32 $0x1400, s5;
	[smem:$0x7FF] =	sst s4  }
0xc: {  	s31 =	sshrl.u32 s1, $0x1;
	s7 =	sshrl.u32 s7, $0x2;
	s24 =	sshrl.u32 s12, $0x3  }
0xd: {  	_ =	strace $0x8000004A;
	s1 =	ssub.s32 s1, s31;
	s10 =	sadd.s32 s7, s3  }
0xe: {  	s11 =	sadd.s32 s5, s0;
	s5 =	sadd.s32 $0x1400, s0;
	s0 =	sadd.s32 s6, s0  }
0xf: {  	s6 =	sadd.s32 s12, s3;
	s7 =	sadd.s32 $0x2000, s10;
	s8 =	sadd.s32 $0x4000, s10  }
0x10: {  	s9 =	sadd.s32 $0x6000, s10;
	s10 =	sadd.s32 $0x8000, s10;
	s0 =	sadd.s32 $0x33C00, s0  }
0x11: {  	s12 =	smax.u32 s1, $0x1;
	s11 =	sadd.s32 $0xBC00, s11;
	s24 =	sadd.s32 s24, s0  }
.LBB2_1:
0x12: {  	[tilespmem:s13], [sflag:$0x3] =	stream.linear.gather [hbm4b:s5+s4], $0x2000, $0x38;
	[tilespmem:$0x1C000] =	vst v63  }
0x13: {  	_ =	swait.ge [sflag:s14], $0x2000  }
0x14: {  	[sflag:s14] =	ssyncset.done $0x0  }
0x15: {  	[sflag:s14] =	ssyncadd.s32 $0xFFFFE000  }
0x16: {  	[spmem:s6] =	stream.linear.scatter [tilespmem:s13], [sflag:$0x3], $0x2000, $0x38;
	[tilespmem:$0x1C000] =	vst v63  }
0x17: {  	_ =	swait.ge [sflag:s14], $0x2000  }
0x18: {  	[sflag:s14] =	ssyncset.done $0x0  }
0x19: {  	[sflag:s14] =	ssyncadd.s32 $0xFFFFE000  }
0x1a: {  	[spmem:s7] =	stream.linear.scatter [tilespmem:s13], [sflag:$0x3], $0x2000, $0x38;
	[tilespmem:$0x1C000] =	vst v63  }
0x1b: {  	_ =	swait.ge [sflag:s14], $0x2000  }
0x1c: {  	[sflag:s14] =	ssyncset.done $0x0  }
0x1d: {  	[sflag:s14] =	ssyncadd.s32 $0xFFFFE000  }
0x1e: {  	[spmem:s8] =	stream.linear.scatter [tilespmem:s13], [sflag:$0x3], $0x2000, $0x38;
	[tilespmem:$0x1C000] =	vst v63  }
0x1f: {  	_ =	swait.ge [sflag:s14], $0x2000  }
0x20: {  	[sflag:s14] =	ssyncset.done $0x0  }
0x21: {  	[sflag:s14] =	ssyncadd.s32 $0xFFFFE000  }
0x22: {  	[spmem:s9] =	stream.linear.scatter [tilespmem:s13], [sflag:$0x3], $0x2000, $0x38;
	[tilespmem:$0x1C000] =	vst v63  }
0x23: {  	_ =	swait.ge [sflag:s14], $0x2000  }
0x24: {  	[sflag:s14] =	ssyncset.done $0x0  }
0x25: {  	[sflag:s14] =	ssyncadd.s32 $0xFFFFE000  }
0x26: {  	[spmem:s10] =	stream.linear.scatter [tilespmem:s13], [sflag:$0x3], $0x2000, $0x38;
	[tilespmem:$0x1C000] =	vst v63  }
0x27: {  	_ =	swait.ge [sflag:s14], $0x2000  }
0x28: {  	[sflag:s14] =	ssyncset.done $0x0  }
0x29: {  	[sflag:s14] =	ssyncadd.s32 $0xFFFFE000  }
0x2a: {  	[tilespmem:s4], [sflag:$0x3] =	stream.linear.gather [hbm4b:s11+s4], $0xA000, $0x38;
	[tilespmem:$0x1C000] =	vst v63  }
0x2b: {  	_ =	swait.ge [sflag:s14], $0xA000  }
0x2c: {  	[sflag:s14] =	ssyncset.done $0x0  }
0x2d: {  	[sflag:s14] =	ssyncadd.s32 $0xFFFF6000  }
0x2e: {  	[bflag:$0x0] =	sbarrier.arrive $0xFFFF  }
0x2f: {  	[tilespmem:s13], [sflag:$0x1] =	stream.indirect.gather [hbm4b:s2+s15], $0x40, s4, s15, $0xb8;
	[tilespmem:$0x1C000] =	vst v63  }
0x30: {  	_ = 	snop  }
0x31: {  	[tilespmem:s16], [sflag:$0x1] =	stream.indirect.gather [hbm4b:s2+s15], $0x40, s15, s15, $0xb8;
	[tilespmem:$0x1C000] =	vst v63  }
0x32: {  	s0 =	simm.s32 $0x200  }
0x33: {  	[tilespmem:s17], [sflag:$0x2] =	stream.indirect.gather [hbm4b:s2+s15], $0x40, s0, s15, $0xb8;
	[tilespmem:$0x1C000] =	vst v63  }
0x34: {  	s21 =	simm.s32 $0x280  }
0x35: {  	[tilespmem:s18], [sflag:$0x2] =	stream.indirect.gather [hbm4b:s2+s15], $0x40, s21, s15, $0xb8;
	[tilespmem:$0x1C000] =	vst v63  }
0x36: {  	_ =	swait.ge [sflag:s19], $0x2000  }
0x37: {  	[sflag:s19] =	ssyncset.done $0x0  }
0x38: {  	[sflag:s19] =	ssyncadd.s32 $0xFFFFE000  }
0x39: {  	_ =	swait.ge [sflag:s19], $0x2000  }
0x3a: {  	[sflag:s19] =	ssyncset.done $0x0  }
0x3b: {  	s1 =	simm.s32 $0x100;
	[sflag:s19] =	ssyncadd.s32 $0xFFFFE000  }
0x3c: {  	[spmem:s3] =	stream.indirect.scatter.add.f32 [tilespmem:s13], [sflag:$0x3], $0x40, s1, s15, $0xb8;
	[tilespmem:$0x1C000] =	vst v63  }
0x3d: {  	_ =	swait.ge [sflag:s14], $0x2000  }
0x3e: {  	[sflag:s14] =	ssyncset.done $0x0  }
0x3f: {  	s21 =	simm.s32 $0x180;
	[sflag:s14] =	ssyncadd.s32 $0xFFFFE000  }
0x40: {  	[spmem:s3] =	stream.indirect.scatter.add.f32 [tilespmem:s16], [sflag:$0x3], $0x40, s21, s15, $0xb8;
	[tilespmem:$0x1C000] =	vst v63  }
0x41: {  	_ =	swait.ge [sflag:s14], $0x2000  }
0x42: {  	[sflag:s14] =	ssyncset.done $0x0  }
0x43: {  	s1 =	simm.s32 $0x400;
	[sflag:s14] =	ssyncadd.s32 $0xFFFFE000  }
0x44: {  	[tilespmem:s13], [sflag:$0x1] =	stream.indirect.gather [hbm4b:s2+s15], $0x40, s1, s15, $0xb8;
	[tilespmem:$0x1C000] =	vst v63  }
0x45: {  	s21 =	simm.s32 $0x480  }
0x46: {  	[tilespmem:s16], [sflag:$0x1] =	stream.indirect.gather [hbm4b:s2+s15], $0x40, s21, s15, $0xb8;
	[tilespmem:$0x1C000] =	vst v63  }
0x47: {  	_ =	swait.ge [sflag:s20], $0x2000  }
0x48: {  	[sflag:s20] =	ssyncset.done $0x0  }
0x49: {  	[sflag:s20] =	ssyncadd.s32 $0xFFFFE000  }
0x4a: {  	_ =	swait.ge [sflag:s20], $0x2000  }
0x4b: {  	[sflag:s20] =	ssyncset.done $0x0  }
0x4c: {  	s1 =	simm.s32 $0x300;
	[sflag:s20] =	ssyncadd.s32 $0xFFFFE000  }
0x4d: {  	[spmem:s3] =	stream.indirect.scatter.add.f32 [tilespmem:s17], [sflag:$0x3], $0x40, s1, s15, $0xb8;
	[tilespmem:$0x1C000] =	vst v63  }
0x4e: {  	_ =	swait.ge [sflag:s14], $0x2000  }
0x4f: {  	[sflag:s14] =	ssyncset.done $0x0  }
0x50: {  	s21 =	simm.s32 $0x380;
	[sflag:s14] =	ssyncadd.s32 $0xFFFFE000  }
0x51: {  	[spmem:s3] =	stream.indirect.scatter.add.f32 [tilespmem:s18], [sflag:$0x3], $0x40, s21, s15, $0xb8;
	[tilespmem:$0x1C000] =	vst v63  }
0x52: {  	_ =	swait.ge [sflag:s14], $0x2000  }
0x53: {  	s31 =	simm.s32 $0x2000;
	s30 =	simm.s32 $0x400;
	[sflag:s14] =	ssyncset.done $0x0  }
.LBB2_2:
0x54: {  	s21 =	sadd.s32 $0x200, s30  }
0x55: {  	[sflag:s14] =	ssyncadd.s32 $0xFFFFE000;
	s1 =	smov.u32 s31;
	s0 =	sadd.s32 $0x1000, s31  }
0x56: {  	[tilespmem:s17], [sflag:$0x2] =	stream.indirect.gather [hbm4b:s2+s15], $0x40, s21, s15, $0xb8;
	[tilespmem:$0x1C000] =	vst v63  }
0x57: {  	p0 =	sne.s32 s31, $0x26000;
	s21 =	sadd.s32 $0x280, s30  }
0x58: {  	[tilespmem:s18], [sflag:$0x2] =	stream.indirect.gather [hbm4b:s2+s15], $0x40, s21, s15, $0xb8;
	[tilespmem:$0x1C000] =	vst v63  }
0x59: {  	_ =	swait.ge [sflag:s19], $0x2000  }
0x5a: {  	[sflag:s19] =	ssyncset.done $0x0  }
0x5b: {  	[sflag:s19] =	ssyncadd.s32 $0xFFFFE000  }
0x5c: {  	_ =	swait.ge [sflag:s19], $0x2000  }
0x5d: {  	[sflag:s19] =	ssyncset.done $0x0  }
0x5e: {  	s21 =	sadd.s32 $0x100, s30;
	[sflag:s19] =	ssyncadd.s32 $0xFFFFE000  }
0x5f: {  	[spmem:s3] =	stream.indirect.scatter.add.f32 [tilespmem:s13], [sflag:$0x3], $0x40, s21, s15, $0xb8;
	[tilespmem:$0x1C000] =	vst v63  }
0x60: {  	_ =	swait.ge [sflag:s14], $0x2000  }
0x61: {  	[sflag:s14] =	ssyncset.done $0x0  }
0x62: {  	s21 =	sadd.s32 $0x180, s30;
	[sflag:s14] =	ssyncadd.s32 $0xFFFFE000  }
0x63: {  	[spmem:s3] =	stream.indirect.scatter.add.f32 [tilespmem:s16], [sflag:$0x3], $0x40, s21, s15, $0xb8;
	[tilespmem:$0x1C000] =	vst v63  }
0x64: {  	_ =	swait.ge [sflag:s14], $0x2000  }
0x65: {  	[sflag:s14] =	ssyncset.done $0x0  }
0x66: {  	s21 =	sadd.s32 $0x400, s30;
	[sflag:s14] =	ssyncadd.s32 $0xFFFFE000  }
0x67: {  	[tilespmem:s13], [sflag:$0x1] =	stream.indirect.gather [hbm4b:s2+s15], $0x40, s21, s15, $0xb8;
	[tilespmem:$0x1C000] =	vst v63  }
0x68: {  	s21 =	sadd.s32 $0x480, s30  }
0x69: {  	[tilespmem:s16], [sflag:$0x1] =	stream.indirect.gather [hbm4b:s2+s15], $0x40, s21, s15, $0xb8;
	[tilespmem:$0x1C000] =	vst v63  }
0x6a: {  	_ =	swait.ge [sflag:s20], $0x2000  }
0x6b: {  	[sflag:s20] =	ssyncset.done $0x0  }
0x6c: {  	[sflag:s20] =	ssyncadd.s32 $0xFFFFE000  }
0x6d: {  	_ =	swait.ge [sflag:s20], $0x2000  }
0x6e: {  	[sflag:s20] =	ssyncset.done $0x0  }
0x6f: {  	s21 =	sadd.s32 $0x300, s30;
	[sflag:s20] =	ssyncadd.s32 $0xFFFFE000  }
0x70: {  	[spmem:s3] =	stream.indirect.scatter.add.f32 [tilespmem:s17], [sflag:$0x3], $0x40, s21, s15, $0xb8;
	[tilespmem:$0x1C000] =	vst v63  }
0x71: {  	_ =	swait.ge [sflag:s14], $0x2000  }
.Ltmp0:
0x72: {  	[sflag:s14] =	ssyncset.done $0x0;
	(pc) =	sbr.rel @p0 .LBB2_2-.Ltmp0, $4  }
0x73: {  	s21 =	sadd.s32 $0x380, s30;
	[sflag:s14] =	ssyncadd.s32 $0xFFFFE000  }
0x74: {  	[spmem:s3] =	stream.indirect.scatter.add.f32 [tilespmem:s18], [sflag:$0x3], $0x40, s21, s15, $0xb8;
	[tilespmem:$0x1C000] =	vst v63  }
0x75: {  	_ =	swait.ge [sflag:s14], $0x2000  }
0x76: {  	s31 =	smov.u32 s0;
	s30 =	sshra.s32 s1, $0x2;
	[sflag:s14] =	ssyncset.done $0x0  }
0x77: {  	s0 =	sadd.s32 $0x200, s30;
	[sflag:s14] =	ssyncadd.s32 $0xFFFFE000  }
0x78: {  	[tilespmem:s17], [sflag:$0x2] =	stream.indirect.gather [hbm4b:s2+s15], $0x40, s0, s15, $0xb8;
	[tilespmem:$0x1C000] =	vst v63  }
0x79: {  	s21 =	sadd.s32 $0x280, s30  }
0x7a: {  	[tilespmem:s18], [sflag:$0x2] =	stream.indirect.gather [hbm4b:s2+s15], $0x40, s21, s15, $0xb8;
	[tilespmem:$0x1C000] =	vst v63  }
0x7b: {  	_ =	swait.ge [sflag:s19], $0x2000  }
0x7c: {  	[sflag:s19] =	ssyncset.done $0x0  }
0x7d: {  	[sflag:s19] =	ssyncadd.s32 $0xFFFFE000  }
0x7e: {  	_ =	swait.ge [sflag:s19], $0x2000  }
0x7f: {  	[sflag:s19] =	ssyncset.done $0x0  }
0x80: {  	s31 =	sadd.s32 $0x100, s30;
	[sflag:s19] =	ssyncadd.s32 $0xFFFFE000  }
0x81: {  	[spmem:s3] =	stream.indirect.scatter.add.f32 [tilespmem:s13], [sflag:$0x3], $0x40, s31, s15, $0xb8;
	[tilespmem:$0x1C000] =	vst v63  }
0x82: {  	_ =	swait.ge [sflag:s14], $0x2000  }
0x83: {  	[sflag:s14] =	ssyncset.done $0x0  }
0x84: {  	s1 =	sadd.s32 $0x180, s30;
	[sflag:s14] =	ssyncadd.s32 $0xFFFFE000  }
0x85: {  	[spmem:s3] =	stream.indirect.scatter.add.f32 [tilespmem:s16], [sflag:$0x3], $0x40, s1, s15, $0xb8;
	[tilespmem:$0x1C000] =	vst v63  }
0x86: {  	_ =	swait.ge [sflag:s14], $0x2000  }
0x87: {  	[sflag:s14] =	ssyncset.done $0x0  }
0x88: {  	s21 =	sadd.s32 $0x400, s30;
	[sflag:s14] =	ssyncadd.s32 $0xFFFFE000  }
0x89: {  	[tilespmem:s13], [sflag:$0x1] =	stream.indirect.gather [hbm4b:s2+s15], $0x40, s21, s15, $0xb8;
	[tilespmem:$0x1C000] =	vst v63  }
0x8a: {  	s31 =	sadd.s32 $0x480, s30  }
0x8b: {  	[tilespmem:s16], [sflag:$0x1] =	stream.indirect.gather [hbm4b:s2+s15], $0x40, s31, s15, $0xb8;
	[tilespmem:$0x1C000] =	vst v63  }
0x8c: {  	_ =	swait.ge [sflag:s20], $0x2000  }
0x8d: {  	[sflag:s20] =	ssyncset.done $0x0  }
0x8e: {  	[sflag:s20] =	ssyncadd.s32 $0xFFFFE000  }
0x8f: {  	_ =	swait.ge [sflag:s20], $0x2000  }
0x90: {  	[sflag:s20] =	ssyncset.done $0x0  }
0x91: {  	s1 =	sadd.s32 $0x300, s30;
	[sflag:s20] =	ssyncadd.s32 $0xFFFFE000  }
0x92: {  	[spmem:s3] =	stream.indirect.scatter.add.f32 [tilespmem:s17], [sflag:$0x3], $0x40, s1, s15, $0xb8;
	[tilespmem:$0x1C000] =	vst v63  }
0x93: {  	_ =	swait.ge [sflag:s14], $0x2000  }
0x94: {  	[sflag:s14] =	ssyncset.done $0x0  }
0x95: {  	s21 =	sadd.s32 $0x380, s30;
	[sflag:s14] =	ssyncadd.s32 $0xFFFFE000  }
0x96: {  	[spmem:s3] =	stream.indirect.scatter.add.f32 [tilespmem:s18], [sflag:$0x3], $0x40, s21, s15, $0xb8;
	[tilespmem:$0x1C000] =	vst v63  }
0x97: {  	_ =	swait.ge [sflag:s14], $0x2000  }
0x98: {  	[sflag:s14] =	ssyncset.done $0x0  }
0x99: {  	s30 =	simm.s32 $0x9E00;
	[sflag:s14] =	ssyncadd.s32 $0xFFFFE000  }
0x9a: {  	[tilespmem:s17], [sflag:$0x2] =	stream.indirect.gather [hbm4b:s2+s15], $0x40, s30, s15, $0xb8;
	[tilespmem:$0x1C000] =	vst v63  }
0x9b: {  	_ = 	snop  }
0x9c: {  	[tilespmem:s18], [sflag:$0x2] =	stream.indirect.gather [hbm4b:s2+s15], $0x40, s22, s15, $0xb8;
	[tilespmem:$0x1C000] =	vst v63  }
0x9d: {  	_ =	swait.ge [sflag:s19], $0x2000  }
0x9e: {  	[sflag:s19] =	ssyncset.done $0x0  }
0x9f: {  	[sflag:s19] =	ssyncadd.s32 $0xFFFFE000  }
0xa0: {  	_ =	swait.ge [sflag:s19], $0x2000  }
0xa1: {  	[sflag:s19] =	ssyncset.done $0x0  }
0xa2: {  	[sflag:s19] =	ssyncadd.s32 $0xFFFFE000  }
0xa3: {  	[spmem:s3] =	stream.indirect.scatter.add.f32 [tilespmem:s13], [sflag:$0x3], $0x40, s23, s15, $0xb8;
	[tilespmem:$0x1C000] =	vst v63  }
0xa4: {  	_ =	swait.ge [sflag:s14], $0x2000  }
0xa5: {  	[sflag:s14] =	ssyncset.done $0x0  }
0xa6: {  	[sflag:s14] =	ssyncadd.s32 $0xFFFFE000  }
0xa7: {  	[spmem:s3] =	stream.indirect.scatter.add.f32 [tilespmem:s16], [sflag:$0x3], $0x40, s25, s15, $0xb8;
	[tilespmem:$0x1C000] =	vst v63  }
0xa8: {  	_ =	swait.ge [sflag:s14], $0x2000  }
0xa9: {  	[sflag:s14] =	ssyncset.done $0x0  }
0xaa: {  	[sflag:s14] =	ssyncadd.s32 $0xFFFFE000  }
0xab: {  	_ =	swait.ge [sflag:s20], $0x2000  }
0xac: {  	[sflag:s20] =	ssyncset.done $0x0  }
0xad: {  	[sflag:s20] =	ssyncadd.s32 $0xFFFFE000  }
0xae: {  	_ =	swait.ge [sflag:s20], $0x2000  }
0xaf: {  	[sflag:s20] =	ssyncset.done $0x0  }
0xb0: {  	[sflag:s20] =	ssyncadd.s32 $0xFFFFE000  }
0xb1: {  	[spmem:s3] =	stream.indirect.scatter.add.f32 [tilespmem:s17], [sflag:$0x3], $0x40, s26, s15, $0xb8;
	[tilespmem:$0x1C000] =	vst v63  }
0xb2: {  	_ =	swait.ge [sflag:s14], $0x2000  }
0xb3: {  	[sflag:s14] =	ssyncset.done $0x0  }
0xb4: {  	[sflag:s14] =	ssyncadd.s32 $0xFFFFE000  }
0xb5: {  	[spmem:s3] =	stream.indirect.scatter.add.f32 [tilespmem:s18], [sflag:$0x3], $0x40, s28, s15, $0xb8;
	[tilespmem:$0x1C000] =	vst v63  }
0xb6: {  	s31 =	stileid.u32;
	_ =	swait.ge [sflag:s14], $0x2000  }
0xb7: {  	s29 =	sadd.s32 $0x1, s29;
	s0 =	sshll.u32 s31, $0x6;
	[sflag:s14] =	ssyncset.done $0x0  }
0xb8: {  	p0 =	sne.s32 s29, s12;
	s0 =	sor.u32 $0x1C03, s0;
	[sflag:s14] =	ssyncadd.s32 $0xFFFFE000  }
.Ltmp1:
0xb9: {  	s1 =	sshrl.u32 s6, $0x3;
	[bflag:$0x0] =	sbarrier.arrive $0xFFFF;
	(pc) =	sbr.rel @p0 .LBB2_1-.Ltmp1, $4  }
0xba: {  	[hbm:s24], [sflag:s0] =	dma.local [spmem:s1], $0x1400  }
0xbb: {  	_ =	swait.ge [sflag:s14], $0x1400  }
0xbc: {  	[sflag:s14] =	ssyncset.done $0x0  }
0xbd: {  	[sflag:s14] =	ssyncadd.s32 $0xFFFFEC00  }
0xbe: {  	_ =	sfence.sel $0x180000  }
0xbf: {  	[bflag:$0x0] =	sbarrier.arrive $0xFFFF  }
0xc0: {  	_ =	strace $0x9000004A  }
0xc1: {  	s0 =	stileid.u32;
	[bflag:$0x2] =	sbarrier.arrive $0xFFFF  }
0xc2: {  	p0 =	sne.s32 s0, $0x0;
	s0 =	rddreg [dreg:$0x3]  }
0xc3: {  	s0 =	sadd.s32 @!p0 $0x100000, s0  }
0xc4: {  	[sflag:s0] =	ssyncadd.tile.s32 @!p0 $0x1;
	_ =	shalt  }
.Lfunc_end2:
_tile_overlayer_lowered:
.L_overlay_start_2:
0xc5: {  	(tag) =	ssettag $0x2  }
0xc6: {  	s0 =	rddreg [dreg:$0x0];
	s2 =	stileid.u32  }
0xc7: {  	s1 =	rddreg [dreg:$0x1];
	p0 =	sne.s32 s2, $0x0  }
0xc8: {  	s3 =	rddreg [dreg:$0x2];
	[bflag:$0x3] =	sbarrier.arrive $0xFFFF;
	s2 =	simm.s32 @!p0 $0x1C03  }
0xc9: {  	[timem:s3], [sflag:s2] =	dma.local @!p0 [hbm:s0], s1  }
0xca: {  	s0 =	simm.s32 @!p0 $0x3  }
0xcb: {  	_ =	swait.ge @!p0 [sflag:s0], s1  }
0xcc: {  	s1 =	ssub.s32 @!p0 $0x0, s1;
	[sflag:s0] =	ssyncset.done @!p0 $0x0  }
0xcd: {  	[sflag:s0] =	ssyncadd.s32 @!p0 s1  }
0xce: {  	[bflag:$0x3] =	sbarrier.arrive $0xFFFF  }
0xcf: {  	_ =	shalt  }

// kernel: kernel.7.cloned.1.call-start
scs
__scs_entry_jumppad:
0x0: {  	(pc) =	sbr.rel $0x88, $3  }
0x1: {  	(tag) =	ssettag $0x0;
	lr =	simm.s32 $0x1  }
0x2: {  	[smem:$0x3F9D] =	sst lr;
	_ =	strace $0xD0000000  }
0x3: {  	_ = 	snop  }
0x4: {  	_ = 	snop  }
0x5: {  	_ = 	snop  }
0x6: {  	_ = 	snop  }
0x7: {  	_ = 	snop  }
__scs_overlays_trampoline_lowered:
0x8: {  	[smem:$0x3FAC] =	sst s0  }
0x9: {  	[smem:$0x3FAD] =	sst s1  }
0xa: {  	[smem:$0x3FAE] =	sst s2  }
0xb: {  	[smem:$0x3FAF] =	sst s3  }
0xc: {  	[smem:$0x3FB0] =	sst s4  }
0xd: {  	[smem:$0x3FB1] =	sst s5  }
0xe: {  	[smem:$0x3FB2] =	sst s6  }
0xf: {  	[smem:$0x3FB3] =	sst s7  }
0x10: {  	[smem:$0x3FB4] =	sst s8  }
0x11: {  	[smem:$0x3FB5] =	sst s9;
	s0 =	simm.s32 @!p0 $0x0  }
0x12: {  	s1 =	sld [smem:$0x3F9B];
	s0 =	simm.s32 @p0 $0x1  }
0x13: {  	[smem:$0x3FB6] =	sst s0;
	s0 =	simm.s32 @!p1 $0x0  }
0x14: {  	s2 =	sld [smem:$0x3F9A];
	s0 =	simm.s32 @p1 $0x1  }
0x15: {  	[smem:$0x3FB7] =	sst s0;
	s0 =	simm.s32 @!p2 $0x0  }
0x16: {  	s3 =	sld [smem:$0x3FDB];
	s0 =	simm.s32 @p2 $0x1  }
0x17: {  	s4 =	simm.s32 $0x1BF5;
	[smem:$0x3FB9] =	sst s0  }
0x18: {  	s0 =	sld [smem:$0x3F9C];
	_ =	swait.ge [sflag:s4], $0x0  }
0x19: {  	s7 =	sld [smem:$0x3F9D]  }
0x1a: {  	s8 =	sadd.s32 $0xFFFFE003, lr  }
0x1b: {  	s9 =	sadd.s32 $0xFFFFFEF7, lr;
	s5 =	simm.s32 $0xFFFFFFFF;
	p2 =	slt.u32 s8, $0xFFFFF086  }
0x1c: {  	p1 =	slt.u32 s9, $0xF7A;
	s5 =	simm.s32 @!p2 $0x0  }
0x1d: {  	s5 =	simm.s32 @p1 $0x1;
	p0 =	seq.s32 s7, s2  }
0x1e: {  	s7 =	smul.u32 @!p0 $0xF7A, s2;
	p2 =	seq.s32 @!p0 s5, $0x0  }
0x1f: {  	s9 =	smul.u32 $0xF7A, s1;
	s8 =	simm.s32 @!p0 $0x1BF5;
	p2 =	por !p2, p0  }
0x20: {  	[sflag:s8] =	ssyncset.s32 @!p0 $0xFFFFF086;
	s6 =	sadd.s32 @!p0 s3, s7;
	s7 =	simm.s32 @!p0 $0x108  }
0x21: {  	s3 =	sadd.s32 s3, s9;
	s6 =	sadd.s32 @!p0 $0x88, s6;
	s7 =	simm.s32 @p2 $0x1082  }
0x22: {  	[simem:s7], [sflag:s8] =	dma.local @!p0 [hbm:s6], $0xF7A  }
0x23: {  	s9 =	sor.u32 $0xD0000000, s2;
	s6 =	simm.s32 $0x108;
	_ =	swait.ge @!p0 [sflag:s8], $0x0  }
0x24: {  	s3 =	sadd.s32 $0x88, s3;
	s6 =	simm.s32 @!p1 $0x1082;
	[sflag:s4] =	ssyncset.s32 $0xFFFFF086  }
0x25: {  	[simem:s6], [sflag:s4] =	dma.local [hbm:s3], $0xF7A  }
0x26: {  	[smem:$0x3F9D] =	sst s1;
	(tag) =	ssettag s2;
	_ =	strace s9  }
0x27: {  	s1 =	sld [smem:$0x3FAD]  }
0x28: {  	s2 =	sld [smem:$0x3FAE]  }
0x29: {  	s4 =	sld [smem:$0x3FB0]  }
0x2a: {  	p0 =	seq.s32 s5, $0x0;
	s5 =	sld [smem:$0x3FB1]  }
0x2b: {  	s6 =	sld [smem:$0x3FB2]  }
0x2c: {  	s7 =	sld [smem:$0x3FB3]  }
0x2d: {  	s3 =	simm.s32 $0x108;
	s8 =	sld [smem:$0x3FB4]  }
0x2e: {  	s3 =	simm.s32 @!p0 $0x1082;
	s9 =	sld [smem:$0x3FB5]  }
0x2f: {  	lr =	sadd.s32 s0, s3;
	s0 =	sld [smem:$0x3FAC]  }
0x30: {  	s3 =	sld [smem:$0x3FAF]  }
0x31: {  	[smem:$0x3FB8] =	sst s10  }
0x32: {  	s10 =	sld [smem:$0x3FB6];
	_ =	sdelay $0x3  }
0x33: {  	p0 =	seq.s32 s10, $0x1;
	s10 =	sld [smem:$0x3FB8];
	_ =	sdelay $0x3  }
0x34: {  	[smem:$0x3FB8] =	sst s10  }
0x35: {  	s10 =	sld [smem:$0x3FB7];
	_ =	sdelay $0x3  }
0x36: {  	p1 =	seq.s32 s10, $0x1;
	s10 =	sld [smem:$0x3FB8];
	_ =	sdelay $0x3  }
0x37: {  	[smem:$0x3FB8] =	sst s10  }
0x38: {  	s10 =	sld [smem:$0x3FB9]  }
0x39: {  	_ = 	snop;
	(pc) =	sbr.ind lr, $3  }
0x3a: {  	_ = 	snop  }
0x3b: {  	_ = 	snop  }
0x3c: {  	p2 =	seq.s32 s10, $0x1;
	s10 =	sld [smem:$0x3FB8]  }
0x3d: {  	_ =	shalt  }
0x3e: {  	_ =	shalt  }
0x3f: {  	_ =	shalt  }
0x40: {  	_ =	shalt  }
0x41: {  	_ =	shalt  }
0x42: {  	_ =	shalt  }
0x43: {  	_ =	shalt  }
0x44: {  	_ =	shalt  }
0x45: {  	_ =	shalt  }
0x46: {  	_ =	shalt  }
0x47: {  	_ =	shalt  }
0x48: {  	_ =	shalt  }
0x49: {  	_ =	shalt  }
0x4a: {  	_ =	shalt  }
0x4b: {  	_ =	shalt  }
0x4c: {  	_ =	shalt  }
0x4d: {  	_ =	shalt  }
0x4e: {  	_ =	shalt  }
0x4f: {  	_ =	shalt  }
0x50: {  	_ =	shalt  }
0x51: {  	_ =	shalt  }
0x52: {  	_ =	shalt  }
0x53: {  	_ =	shalt  }
0x54: {  	_ =	shalt  }
0x55: {  	_ =	shalt  }
0x56: {  	_ =	shalt  }
0x57: {  	_ =	shalt  }
0x58: {  	_ =	shalt  }
0x59: {  	_ =	shalt  }
0x5a: {  	_ =	shalt  }
0x5b: {  	_ =	shalt  }
0x5c: {  	_ =	shalt  }
0x5d: {  	_ =	shalt  }
0x5e: {  	_ =	shalt  }
0x5f: {  	_ =	shalt  }
0x60: {  	_ =	shalt  }
0x61: {  	_ =	shalt  }
0x62: {  	_ =	shalt  }
0x63: {  	_ =	shalt  }
0x64: {  	_ =	shalt  }
0x65: {  	_ =	shalt  }
0x66: {  	_ =	shalt  }
0x67: {  	_ =	shalt  }
0x68: {  	_ =	shalt  }
0x69: {  	_ =	shalt  }
0x6a: {  	_ =	shalt  }
0x6b: {  	_ =	shalt  }
0x6c: {  	_ =	shalt  }
0x6d: {  	_ =	shalt  }
0x6e: {  	_ =	shalt  }
0x6f: {  	_ =	shalt  }
0x70: {  	_ =	shalt  }
0x71: {  	_ =	shalt  }
0x72: {  	_ =	shalt  }
0x73: {  	_ =	shalt  }
0x74: {  	_ =	shalt  }
0x75: {  	_ =	shalt  }
0x76: {  	_ =	shalt  }
0x77: {  	_ =	shalt  }
0x78: {  	_ =	shalt  }
0x79: {  	_ =	shalt  }
0x7a: {  	_ =	shalt  }
0x7b: {  	_ =	shalt  }
0x7c: {  	_ =	shalt  }
0x7d: {  	_ =	shalt  }
0x7e: {  	_ =	shalt  }
0x7f: {  	_ =	shalt  }
0x80: {  	_ =	shalt  }
0x81: {  	_ =	shalt  }
0x82: {  	_ =	shalt  }
0x83: {  	_ =	shalt  }
0x84: {  	_ =	shalt  }
0x85: {  	_ =	shalt  }
0x86: {  	_ =	shalt  }
0x87: {  	_ =	shalt  }
.Lfunc_end0:
.L_simem_size_0:
called_computation_lowered:
.L_overlay_start_0:
0x88: {  	s2 =	sld [smem:$0x3FD9]  }
0x89: {  	s3 =	sld [smem:$0x3FFE];
	_ =	sdelay $0x1  }
0x8a: {  	s1 =	srdreg.scid  }
0x8b: {  	s0 =	sand.u32 $0x1, s1  }
0x8c: {  	s17 =	sshll.u32 s0, $0xA;
	s2 =	sadd.s32 s3, s2  }
0x8d: {  	s2 =	sadd.s32 s2, s17  }
0x8e: {  	[smem:$0x3FC4] =	sst s2  }
0x8f: {  	_ = 	snop  }
0x90: {  	s2 =	sld [smem:$0x3FD0];
	(tm) =	ssettm $0x1  }
0x91: {  	s18 =	sld [smem:$0x3FFB];
	_ =	sdelay $0x3  }
0x92: {  	_ =	strace s18  }
0x93: {  	s3 =	sld [smem:$0x3FFC];
	_ =	sdelay $0x3  }
0x94: {  	_ =	strace s3  }
0x95: {  	s3 =	sld [smem:$0x3FFD];
	_ =	sdelay $0x3  }
0x96: {  	_ =	strace s3  }
0x97: {  	_ =	strace $0x8FFFFFFF  }
0x98: {  	s19 =	sld [smem:$0x3FDB];
	_ =	sdelay $0x1  }
0x99: {  	s4 =	simm.s32 $_scs_section_size  }
0x9a: {  	s5 =	simm.s32 $_size__tile_overlayer_lowered;
	s6 =	simm.s32 $_tile_overlayer_lowered  }
0x9b: {  	s22 =	simm.s32 $0x1BFF;
	s21 =	sshll.u32 s6, $0x1;
	s3 =	sadd.s32 s4, s19  }
0x9c: {  	s7 =	simm.s32 $0x0;
	s20 =	sshll.u32 s5, $0x1;
	s5 =	sadd.s32 s21, s3  }
0x9d: {  	[timem:s7], [sflag:s22] =	dma.local [hbm:s5], s20  }
0x9e: {  	_ =	swait.ge [sflag:s22], s20  }
0x9f: {  	s4 =	ssub.s32 $0x0, s20;
	[sflag:s22] =	ssyncset.done $0x0  }
0xa0: {  	[sflag:s22] =	ssyncadd.s32 s4;
	_ =	sdelay $0x1  }
0xa1: {  	s23 =	simm.s32 $0x1B8B  }
0xa2: {  	_ =	swait.ge [sflag:s23], $0x1  }
0xa3: {  	[sflag:s23] =	ssyncset.done $0x0  }
0xa4: {  	s25 =	simm.s32 $0x1B8E;
	s24 =	sld [smem:$0x3FFE];
	[sflag:s23] =	ssyncadd.s32 $0xFFFFFFFF  }
0xa5: {  	s26 =	simm.s32 $execute0_lowered;
	[smem:$0x3FD2] =	sst s25  }
0xa6: {  	s5 =	sshll.u32 s26, $0x1;
	_ =	strace $0x80000046;
	[dreg:$0x1] =	wrdreg $0xFFFFFFFF  }
0xa7: {  	s28 =	simm.s32 $_size_execute0_lowered;
	s3 =	sadd.s32 s3, s5;
	[dreg:$0x0] =	wrdreg $0x0  }
0xa8: {  	s5 =	sshll.u32 s28, $0x1;
	[dreg:$0x2] =	wrdreg s3  }
0xa9: {  	[dreg:$0x3] =	wrdreg s5  }
0xaa: {  	[dreg:$0x4] =	wrdreg $0xC0  }
0xab: {  	_ =	task [dreg:s7], $0x5FFFF  }
0xac: {  	[dreg:$0x1] =	wrdreg $0xFFFFFFFF  }
0xad: {  	[dreg:$0x0] =	wrdreg $0x60  }
0xae: {  	[dreg:$0x2] =	wrdreg s2  }
0xaf: {  	[dreg:$0x3] =	wrdreg s24  }
0xb0: {  	[dreg:$0x4] =	wrdreg $0x31000  }
0xb1: {  	[dreg:$0x5] =	wrdreg $0x9  }
0xb2: {  	_ =	task.clear_ibuf [dreg:s7], $0x6FFFF;
	_ =	strace $0x90000046  }
0xb3: {  	s29 =	simm.s32 $0x9;
	_ =	strace $0x80000048  }
0xb4: {  	_ =	swait.ge [sflag:s29], $0x1  }
0xb5: {  	[sflag:s29] =	ssyncadd.s32 $0xFFFFFFFF  }
0xb6: {  	_ =	strace $0x90000048  }
0xb7: {  	_ =	sfence  }
0xb8: {  	s30 =	sld [smem:$0x0];
	_ =	sdelay $0x2  }
0xb9: {  	s31 =	sshll.u32 s1, $0xD;
	s1 =	sshrl.u32 s1, $0x2  }
0xba: {  	s3 =	sand.u32 $0x4000, s31;
	s1 =	sadd.s32 s1, s30  }
0xbb: {  	s0 =	sor.u32 s3, s0;
	s1 =	sshll.u32 s1, $0x11  }
0xbc: {  	s0 =	sor.u32 s1, s0  }
0xbd: {  	s0 =	sadd.s32 $0x8F2B, s0  }
0xbe: {  	[sflag:s0] =	ssyncadd.remote.s32 $0x1  }
0xbf: {  	_ =	sfence.sel $0xFFFF  }
0xc0: {  	[dreg:$0x0] =	wrdreg $0xFFFFFFFF;
	(pc) =	sbr.abs _section_cstart, $3  }
0xc1: {  	[dreg:$0x1] =	wrdreg $0xFFFFFFFF  }
0xc2: {  	_ =	task.clear_ibuf [dreg:s7], $0x2FFFF;
	_ =	strace $0x9FFFFFFF  }
0xc3: {  	(tm) =	ssettm $0x7FFFFFFF  }
tec
execute0_lowered:
.L_overlay_start_1:
0x0: {  	(tag) =	ssettag $0x1  }
0x1: {  	s8 =	rddreg [dreg:$0x0]  }
0x2: {  	s6 =	rddreg [dreg:$0x1]  }
0x3: {  	s1 =	rddreg [dreg:$0x2]  }
0x4: {  	s0 =	rddreg [dreg:$0x3];
	s2 =	simm.s32 $0x0;
	s3 =	srdreg.scid  }
0x5: {  	[smem:$0x7FF] =	sst s2;
	s5 =	sand.u32 $0x1, s3  }
0x6: {  	s16 =	simm.s32 $0x0;
	s3 =	stileid.u32;
	s7 =	smul.u32 $0x5000, s5  }
0x7: {  	s4 =	sadd.s32 $0x1400, s6;
	_ =	strace $0x80000047;
	s10 =	smul.u32 $0xA000, s3  }
0x8: {  	s9 =	ssub.s32 $0x2, s5;
	s5 =	sadd.s32 $0x1600, s6;
	s12 =	smul.u32 $0x2800, s3  }
0x9: {  	s31 =	sshll.u32 s3, $0x6;
	s11 =	sshrl.u32 s9, $0x1;
	s13 =	sadd.s32 s7, s6  }
0xa: {  	s9 =	ssub.s32 s9, s11;
	s7 =	sadd.s32 s7, s10;
	s6 =	sadd.s32 s12, s1  }
0xb: {  	s14 =	sshrl.u32 s12, $0x3;
	s11 =	simm.s32 $0x900;
	s12 =	simm.s32 $0x80  }
0xc: {  	s13 =	sadd.s32 $0x1C00, s13;
	s10 =	sshrl.u32 s7, $0x3;
	s7 =	smax.u32 s9, $0x1  }
0xd: {  	s9 =	simm.s32 $0x100;
	s15 =	sshrl.u32 s6, $0x3;
	s8 =	sadd.s32 s10, s8  }
0xe: {  	s10 =	simm.s32 $0x1;
	s13 =	sadd.s32 s14, s13;
	s14 =	sor.u32 $0x1C01, s31  }
.LBB2_1:
0xf: {  	[tilespmem:s9], [sflag:$0x1] =	stream.linear.gather [hbm4b:s4+s2], $0x800, $0x38;
	[tilespmem:$0x5900] =	vst v63  }
0x10: {  	_ =	swait.ge [sflag:s10], $0x800  }
0x11: {  	[sflag:s10] =	ssyncset.done $0x0  }
0x12: {  	[sflag:s10] =	ssyncadd.s32 $0xFFFFF800  }
0x13: {  	[tilespmem:s11], [sflag:$0x1] =	stream.linear.gather [hbm4b:s5+s2], $0x2800, $0x38;
	[tilespmem:$0x5900] =	vst v63  }
0x14: {  	_ =	swait.ge [sflag:s10], $0x2800  }
0x15: {  	[sflag:s10] =	ssyncset.done $0x0  }
0x16: {  	[sflag:s10] =	ssyncadd.s32 $0xFFFFD800  }
0x17: {  	[spmem:s6] =	stream.linear.scatter [tilespmem:s11], [sflag:$0x1], $0x2800, $0x38;
	[tilespmem:$0x5900] =	vst v63  }
0x18: {  	_ =	swait.ge [sflag:s10], $0x2800  }
0x19: {  	[sflag:s10] =	ssyncset.done $0x0  }
0x1a: {  	[sflag:s10] =	ssyncadd.s32 $0xFFFFD800  }
0x1b: {  	s17 =	sadd.s32 $0x0, s8;
	[bflag:$0x0] =	sbarrier.arrive $0xFFFF  }
0x1c: {  	[tilespmem:s2], [sflag:$0x1] =	stream.linear.gather [hbm4b:s17+s2], $0x100, $0x38;
	[tilespmem:$0x5900] =	vst v63  }
0x1d: {  	_ =	swait.ge [sflag:s10], $0x100  }
0x1e: {  	[sflag:s10] =	ssyncset.done $0x0  }
0x1f: {  	[sflag:s10] =	ssyncadd.s32 $0xFFFFFF00  }
0x20: {  	[spmem:s1] =	stream.indirect.scatter.add.f32 [tilespmem:s9], [sflag:$0x1], $0x10, s2, s12, $0xb8;
	[tilespmem:$0x5900] =	vst v63  }
0x21: {  	_ =	swait.ge [sflag:s10], $0x800  }
0x22: {  	[sflag:s10] =	ssyncset.done $0x0  }
0x23: {  	[sflag:s10] =	ssyncadd.s32 $0xFFFFF800  }
0x24: {  	[spmem:s1] =	stream.indirect.scatter.add.f32 [tilespmem:s9], [sflag:$0x1], $0x10, s12, s12, $0xb8;
	[tilespmem:$0x5900] =	vst v63  }
0x25: {  	_ =	swait.ge [sflag:s10], $0x800  }
0x26: {  	s18 =	simm.s32 $0x40;
	s17 =	simm.s32 $0x20;
	[sflag:s10] =	ssyncset.done $0x0  }
.LBB2_2:
0x27: {  	s19 =	sadd.s32 s17, s8  }
0x28: {  	[sflag:s10] =	ssyncadd.s32 $0xFFFFF800;
	s17 =	smov.u32 s18;
	s20 =	sadd.s32 $0x20, s18  }
0x29: {  	[tilespmem:s2], [sflag:$0x1] =	stream.linear.gather [hbm4b:s19+s2], $0x100, $0x38;
	[tilespmem:$0x5900] =	vst v63  }
0x2a: {  	p0 =	sne.s32 s18, $0x9E0;
	_ =	swait.ge [sflag:s10], $0x100  }
0x2b: {  	[sflag:s10] =	ssyncset.done $0x0  }
0x2c: {  	[sflag:s10] =	ssyncadd.s32 $0xFFFFFF00  }
0x2d: {  	[spmem:s1] =	stream.indirect.scatter.add.f32 [tilespmem:s9], [sflag:$0x1], $0x10, s2, s12, $0xb8;
	[tilespmem:$0x5900] =	vst v63  }
0x2e: {  	_ =	swait.ge [sflag:s10], $0x800  }
.Ltmp0:
0x2f: {  	[sflag:s10] =	ssyncset.done $0x0;
	(pc) =	sbr.rel @p0 .LBB2_2-.Ltmp0, $4  }
0x30: {  	[sflag:s10] =	ssyncadd.s32 $0xFFFFF800  }
0x31: {  	[spmem:s1] =	stream.indirect.scatter.add.f32 [tilespmem:s9], [sflag:$0x1], $0x10, s12, s12, $0xb8;
	[tilespmem:$0x5900] =	vst v63  }
0x32: {  	_ =	swait.ge [sflag:s10], $0x800  }
0x33: {  	s18 =	smov.u32 s20;
	[sflag:s10] =	ssyncset.done $0x0  }
0x34: {  	s17 =	sadd.s32 s17, s8;
	[sflag:s10] =	ssyncadd.s32 $0xFFFFF800  }
0x35: {  	[tilespmem:s2], [sflag:$0x1] =	stream.linear.gather [hbm4b:s17+s2], $0x100, $0x38;
	[tilespmem:$0x5900] =	vst v63  }
0x36: {  	_ =	swait.ge [sflag:s10], $0x100  }
0x37: {  	[sflag:s10] =	ssyncset.done $0x0  }
0x38: {  	[sflag:s10] =	ssyncadd.s32 $0xFFFFFF00  }
0x39: {  	[spmem:s1] =	stream.indirect.scatter.add.f32 [tilespmem:s9], [sflag:$0x1], $0x10, s2, s12, $0xb8;
	[tilespmem:$0x5900] =	vst v63  }
0x3a: {  	_ =	swait.ge [sflag:s10], $0x800  }
0x3b: {  	[sflag:s10] =	ssyncset.done $0x0  }
0x3c: {  	[sflag:s10] =	ssyncadd.s32 $0xFFFFF800  }
0x3d: {  	[spmem:s1] =	stream.indirect.scatter.add.f32 [tilespmem:s9], [sflag:$0x1], $0x10, s12, s12, $0xb8;
	[tilespmem:$0x5900] =	vst v63  }
0x3e: {  	_ =	swait.ge [sflag:s10], $0x800  }
0x3f: {  	s16 =	sadd.s32 $0x1, s16;
	[sflag:s10] =	ssyncset.done $0x0  }
0x40: {  	p0 =	sne.s32 s16, s7;
	[sflag:s10] =	ssyncadd.s32 $0xFFFFF800  }
.Ltmp1:
0x41: {  	[bflag:$0x0] =	sbarrier.arrive $0xFFFF;
	(pc) =	sbr.rel @p0 .LBB2_1-.Ltmp1, $4  }
0x42: {  	[hbm:s13], [sflag:s14] =	dma.local [spmem:s15], $0x500  }
0x43: {  	_ =	swait.ge [sflag:s10], $0x500  }
0x44: {  	[sflag:s10] =	ssyncset.done $0x0  }
0x45: {  	[sflag:s10] =	ssyncadd.s32 $0xFFFFFB00  }
0x46: {  	_ =	sfence.sel $0x180000  }
0x47: {  	[bflag:$0x0] =	sbarrier.arrive $0xFFFF  }
0x48: {  	p0 =	sne.s32 s3, $0x0;
	_ =	strace $0x90000047  }
0x49: {  	s0 =	sadd.s32 @!p0 $0x100000, s0;
	[bflag:$0x2] =	sbarrier.arrive $0xFFFF  }
0x4a: {  	[sflag:s0] =	ssyncadd.tile.s32 @!p0 $0x1;
	_ =	shalt  }
.Lfunc_end2:
_tile_overlayer_lowered:
.L_overlay_start_2:
0x4b: {  	(tag) =	ssettag $0x2  }
0x4c: {  	s0 =	rddreg [dreg:$0x0];
	s2 =	stileid.u32  }
0x4d: {  	s1 =	rddreg [dreg:$0x1];
	p0 =	sne.s32 s2, $0x0  }
0x4e: {  	s3 =	rddreg [dreg:$0x2];
	[bflag:$0x3] =	sbarrier.arrive $0xFFFF;
	s2 =	simm.s32 @!p0 $0x1C01  }
0x4f: {  	[timem:s3], [sflag:s2] =	dma.local @!p0 [hbm:s0], s1  }
0x50: {  	s0 =	simm.s32 @!p0 $0x1  }
0x51: {  	_ =	swait.ge @!p0 [sflag:s0], s1  }
0x52: {  	s1 =	ssub.s32 @!p0 $0x0, s1;
	[sflag:s0] =	ssyncset.done @!p0 $0x0  }
0x53: {  	[sflag:s0] =	ssyncadd.s32 @!p0 s1  }
0x54: {  	[bflag:$0x3] =	sbarrier.arrive $0xFFFF  }
0x55: {  	_ =	shalt  }

</sc_bundles>
